<compile_context>
chip_gen: v7x
topology: tpu7x:2x2x1
jax: 0.10.2.dev20260603
libtpu: 0.0.44.dev20260713+nightly
codegen_flags: <defaults>
</compile_context>

<pallas_src>
import functools
import math

import jax
import jax.numpy as jnp
from jax import lax
from jax.experimental import pallas as pl
from jax.experimental.pallas import tpu as pltpu
from jax.experimental.pallas import tpu_sc as plsc

_NB = 32
_NH = 16
_S = 2048
_W = 4224
_THR = [math.ceil(16 * 8 ** (t / 16)) for t in range(1, 16)]

_HALF = _W // 2
_CHUNKS = _HALF // 16



def _sc_body(table_hbm, delta_hbm, out_hbm, table_v, delta_v, vals_v):
    nc = plsc.get_sparse_core_info().num_cores
    wid = lax.axis_index("s") * nc + lax.axis_index("c")
    hh = wid // 2
    part = wid % 2
    pltpu.sync_copy(table_hbm, table_v)
    pltpu.sync_copy(delta_hbm, delta_v)
    vdelta = delta_v[...]
    hvec = jnp.full((16,), 0, jnp.int32) + hh
    base = part * _HALF
    lane = lax.iota(jnp.int32, 16)

    def chunk(k, acc):
        c = lane + (base + k * 16)
        n = jnp.abs(c + (vdelta - _S))
        large = jnp.full((16,), 16, jnp.int32)
        for t in _THR:
            large += (n >= t).astype(jnp.int32)
        bucket = jnp.where(n < 16, n, large)
        vals_v[pl.ds(k * 16, 16)] = plsc.load_gather(table_v, [bucket * _NH + hvec])
        return acc

    lax.fori_loop(0, _CHUNKS, chunk, 0)
    pltpu.sync_copy(vals_v, out_hbm.at[pl.ds(hh * _W + base, _HALF)])


_sc_vals = functools.partial(
    pl.kernel,
    out_type=jax.ShapeDtypeStruct((_NH * _W,), jnp.float32),
    mesh=plsc.VectorSubcoreMesh(core_axis_name="c", subcore_axis_name="s"),
    scratch_types=[
        pltpu.VMEM((_NB * _NH,), jnp.float32),
        pltpu.VMEM((16,), jnp.int32),
        pltpu.VMEM((_HALF,), jnp.float32),
    ],
    compiler_params=pltpu.CompilerParams(needs_layout_passes=False),
)(_sc_body)



def _copies(rolled_ref, out_hbm, sem, bi, h):
    for rb in range(_S // 128):
        yield pltpu.make_async_copy(
            rolled_ref.at[bi, :, pl.ds(_S - 128 * rb, _S)],
            out_hbm.at[0, h, pl.ds(128 * rb, 128), :],
            sem,
        )


def _tc_body(vals_ref, out_hbm, rolled_ref, sem0, sem1):
    h = pl.program_id(0)
    even = (h % 2) == 0

    def run(bi, sem):
        @pl.when(h >= 2)
        def _drain_prev():
            for cp in _copies(rolled_ref, out_hbm, sem, bi, h - 2):
                cp.wait()

        x = jnp.broadcast_to(vals_ref[0], (128, _W))
        m = jax.lax.broadcasted_iota(jnp.int32, (128, _W), 0)
        for t in range(7):
            sh = 1 << t
            x = jnp.where((m & sh) != 0, pltpu.roll(x, sh, 1), x)
        rolled_ref[bi] = x
        for cp in _copies(rolled_ref, out_hbm, sem, bi, h):
            cp.start()

    @pl.when(even)
    def _even():
        run(0, sem0)

    @pl.when(jnp.logical_not(even))
    def _odd():
        run(1, sem1)

    @pl.when(h == _NH - 1)
    def _final_drain():
        for cp in _copies(rolled_ref, out_hbm, sem0, 0, h - 1):
            cp.wait()
        for cp in _copies(rolled_ref, out_hbm, sem1, 1, h):
            cp.wait()


def kernel(table, seq_len, past_key_values_length):
    delta = (jnp.asarray(seq_len).astype(jnp.int32) - _S
             - jnp.asarray(past_key_values_length).astype(jnp.int32))
    vals = _sc_vals(table.astype(jnp.float32).reshape(_NB * _NH),
                    jnp.full((16,), delta, jnp.int32))
    return pl.pallas_call(
        _tc_body,
        grid=(_NH,),
        in_specs=[
            pl.BlockSpec((1, 1, _W), lambda h: (h, 0, 0)),
        ],
        out_specs=pl.BlockSpec(memory_space=pl.ANY),
        out_shape=jax.ShapeDtypeStruct((1, _NH, _S, _S), jnp.float32),
        scratch_shapes=[
            pltpu.VMEM((2, 128, _W), jnp.float32),
            pltpu.SemaphoreType.DMA,
            pltpu.SemaphoreType.DMA,
        ],
        compiler_params=pltpu.CompilerParams(
            dimension_semantics=("arbitrary",),
        ),
    )(vals.reshape(_NH, 1, _W))

# --- scband reference (transcript-rebuilt; emitter-appended) ---
"""Pipeline reference for scband-relative-position-bias-52149492908596 (READ-ONLY COPY).

The authoritative reference and input builder live on the scoring server;
editing this copy changes nothing except your own understanding.
"""

import math
import jax, jax.numpy as jnp
import numpy as np

NUM_BUCKETS = 32
MAX_DISTANCE = 128
NUM_HEADS = 16


def setup_inputs(seed: int = 0) -> dict:
    key = jax.random.key(seed)
    table = jax.random.normal(key, (NUM_BUCKETS, NUM_HEADS), dtype=jnp.float32) * 0.02
    return {"table": table, "seq_len": 2048, "past_key_values_length": 0}


def _relative_position_bucket(relative_position, num_buckets=NUM_BUCKETS, max_distance=MAX_DISTANCE):
    n = jnp.abs(-relative_position)
    max_exact = num_buckets // 2
    is_small = n < max_exact
    # clamp n to >=1 inside log purely for numerical safety; result is masked by `where` for small n
    n_safe = jnp.maximum(n.astype(jnp.float32), 1.0)
    val_if_large = max_exact + (
        jnp.log(n_safe / max_exact) / math.log(max_distance / max_exact) * (num_buckets - max_exact)
    ).astype(jnp.int32)
    val_if_large = jnp.minimum(val_if_large, num_buckets - 1)
    ret = jnp.where(is_small, n.astype(jnp.int32), val_if_large)
    return ret


def reference(table, seq_len, past_key_values_length):
    SEQ_LEN_STATIC = 2048
    PKV_LEN_STATIC = 0
    TOTAL_LEN_STATIC = SEQ_LEN_STATIC + PKV_LEN_STATIC
    pkv = jnp.asarray(past_key_values_length).astype(jnp.int32)
    seq_off = jnp.asarray(seq_len).astype(jnp.int32) - SEQ_LEN_STATIC
    context_position = (pkv + jnp.arange(SEQ_LEN_STATIC, dtype=jnp.int32))[:, None]
    memory_position = (seq_off + jnp.arange(TOTAL_LEN_STATIC, dtype=jnp.int32))[None, :]
    relative_position = memory_position - context_position  # (seq_len, total_len)
    rp_bucket = _relative_position_bucket(relative_position)
    values = jnp.take(table, rp_bucket, axis=0)  # (seq_len, total_len, num_heads)
    bias = jnp.transpose(values, (2, 0, 1))[None]  # (1, num_heads, seq_len, total_len)
    return bias

if __name__ == "__main__":
    import jax
    _d = setup_inputs()
    print(jax.jit(kernel)(*tuple(_d.values())))

</pallas_src>

<mosaic_0001>
#map = affine_map<(d0, d1) -> (0)>
module attributes {stable_mosaic.version = 14 : i64} {
  func.func @_sc_body(%arg0: i32, %arg1: i32, %arg2: memref<512xf32, #tpu.memory_space<hbm>>, %arg3: memref<16xi32, #tpu.memory_space<hbm>>, %arg4: memref<67584xf32, #tpu.memory_space<hbm>>, %arg5: memref<512xf32, #tpu.memory_space<vmem>>, %arg6: memref<16xi32, #tpu.memory_space<vmem>>, %arg7: memref<2112xf32, #tpu.memory_space<vmem>>) attributes {dimension_semantics = [#tpu.dimension_semantics<core_parallel>, #tpu.dimension_semantics<subcore_parallel>], iteration_bounds = array<i64: 2, 16>, scalar_prefetch = 0 : i64, scratch_operands = 3 : i64, tpu.core_type = #tpu.core_type<sc_vector_subcore>, window_params = [{transform_indices = #map}, {transform_indices = #map}, {transform_indices = #map}]} {
    %mul3A = arith.constant 2 : i32
    %mul3A_0 = arith.muli %arg1, %mul3A : i32
    %add3A = arith.addi %mul3A_0, %arg0 : i32
    %jit3A = arith.constant 2 : i32
    %div3A = arith.divsi %add3A, %jit3A : i32
    %sign3A = arith.constant 0 : i32
    %sign3A_1 = arith.cmpi sgt, %add3A, %sign3A : i32
    %sign3A_2 = arith.extui %sign3A_1 : i1 to i32
    %sign3A_3 = arith.constant 0 : i32
    %sign3A_4 = arith.cmpi slt, %add3A, %sign3A_3 : i32
    %sign3A_5 = arith.extui %sign3A_4 : i1 to i32
    %sign3A_6 = arith.subi %sign3A_2, %sign3A_5 : i32
    %sign3A_7 = arith.constant 0 : i32
    %sign3A_8 = arith.cmpi sgt, %jit3A, %sign3A_7 : i32
    %sign3A_9 = arith.extui %sign3A_8 : i1 to i32
    %sign3A_10 = arith.constant 0 : i32
    %sign3A_11 = arith.cmpi slt, %jit3A, %sign3A_10 : i32
    %sign3A_12 = arith.extui %sign3A_11 : i1 to i32
    %sign3A_13 = arith.subi %sign3A_9, %sign3A_12 : i32
    %ne3A = arith.cmpi ne, %sign3A_6, %sign3A_13 : i32
    %rem3A = arith.remsi %add3A, %jit3A : i32
    %ne3A_14 = arith.constant 0 : i32
    %ne3A_15 = arith.cmpi ne, %rem3A, %ne3A_14 : i32
    %and3A = arith.andi %ne3A, %ne3A_15 : i1
    %sub3A = arith.constant 1 : i32
    %sub3A_16 = arith.subi %div3A, %sub3A : i32
    %select_n3A = arith.select %and3A, %sub3A_16, %div3A : i32
    %jit3A_17 = arith.constant 2 : i32
    %eq3A = arith.constant 0 : i32
    %eq3A_18 = arith.cmpi eq, %jit3A_17, %eq3A : i32
    %jit3A_19 = arith.constant 1 : i32
    %select_n3A_20 = arith.select %eq3A_18, %jit3A_19, %jit3A_17 : i32
    %rem3A_21 = arith.remsi %add3A, %select_n3A_20 : i32
    %ne3A_22 = arith.constant 0 : i32
    %ne3A_23 = arith.cmpi ne, %rem3A_21, %ne3A_22 : i32
    %lt3A = arith.constant 0 : i32
    %lt3A_24 = arith.cmpi slt, %rem3A_21, %lt3A : i32
    %lt3A_25 = arith.constant 0 : i32
    %lt3A_26 = arith.cmpi slt, %select_n3A_20, %lt3A_25 : i32
    %ne3A_27 = arith.xori %lt3A_24, %lt3A_26 : i1
    %and3A_28 = arith.andi %ne3A_27, %ne3A_23 : i1
    %add3A_29 = arith.addi %rem3A_21, %select_n3A_20 : i32
    %select_n3A_30 = arith.select %and3A_28, %add3A_29, %rem3A_21 : i32
    "tpu.region"() ({
      %run_scoped3A = tpu.sem_alloc : memref<!tpu.dma_semaphore, #tpu.memory_space<semaphore_mem>>
      tpu.enqueue_dma source(%arg2 : memref<512xf32, #tpu.memory_space<hbm>>) target(%arg5 : memref<512xf32, #tpu.memory_space<vmem>>) target_semaphore(%run_scoped3A : memref<!tpu.dma_semaphore, #tpu.memory_space<semaphore_mem>>)
      tpu.wait_dma2 semaphore(%run_scoped3A : memref<!tpu.dma_semaphore, #tpu.memory_space<semaphore_mem>>) src(%arg2 : memref<512xf32, #tpu.memory_space<hbm>>) dst(%arg5 : memref<512xf32, #tpu.memory_space<vmem>>)
      tpu.yield
    }) : () -> ()
    "tpu.region"() ({
      %run_scoped3A = tpu.sem_alloc : memref<!tpu.dma_semaphore, #tpu.memory_space<semaphore_mem>>
      tpu.enqueue_dma source(%arg3 : memref<16xi32, #tpu.memory_space<hbm>>) target(%arg6 : memref<16xi32, #tpu.memory_space<vmem>>) target_semaphore(%run_scoped3A : memref<!tpu.dma_semaphore, #tpu.memory_space<semaphore_mem>>)
      tpu.wait_dma2 semaphore(%run_scoped3A : memref<!tpu.dma_semaphore, #tpu.memory_space<semaphore_mem>>) src(%arg3 : memref<16xi32, #tpu.memory_space<hbm>>) dst(%arg6 : memref<16xi32, #tpu.memory_space<vmem>>)
      tpu.yield
    }) : () -> ()
    %get3A = arith.constant 0 : index
    %get3A_31 = tpu.vector_load %arg6[%get3A] {strides = array<i32>} : memref<16xi32, #tpu.memory_space<vmem>>, vector<16xi32>,
    %broadcast_in_dim3A = arith.constant 0 : i32
    %broadcast_in_dim3A_32 = vector.broadcast %broadcast_in_dim3A : i32 to vector<16xi32>
    %add3A_33 = vector.broadcast %select_n3A : i32 to vector<16xi32>
    %add3A_34 = arith.addi %broadcast_in_dim3A_32, %add3A_33 : vector<16xi32>
    %mul3A_35 = arith.constant 2112 : i32
    %mul3A_36 = arith.muli %select_n3A_30, %mul3A_35 : i32
    %iota3A = tpu.iota {dimensions = array<i32: 0>} : vector<16xi32>
    %scan3A = arith.constant 0 : i32
    %scan3A_37 = arith.constant 0 : i32
    %scan3A_38 = arith.constant 132 : i32
    %scan3A_39 = arith.addi %scan3A_37, %scan3A_38 : i32
    %scan3A_40 = arith.constant 1 : i32
    scf.for %scan3A_45 = %scan3A_37 to %scan3A_39 step %scan3A_40  : i32 {
      %mul3A_46 = arith.constant 16 : i32
      %mul3A_47 = arith.muli %scan3A_45, %mul3A_46 : i32
      %add3A_48 = arith.addi %mul3A_36, %mul3A_47 : i32
      %add3A_49 = vector.broadcast %add3A_48 : i32 to vector<16xi32>
      %add3A_50 = arith.addi %iota3A, %add3A_49 : vector<16xi32>
      %sub3A_51 = arith.constant 2048 : i32
      %sub3A_52 = vector.broadcast %sub3A_51 : i32 to vector<16xi32>
      %sub3A_53 = arith.subi %get3A_31, %sub3A_52 : vector<16xi32>
      %add3A_54 = arith.addi %add3A_50, %sub3A_53 : vector<16xi32>
      %abs3A = math.absi %add3A_54 : vector<16xi32>
      %broadcast_in_dim3A_55 = arith.constant 16 : i32
      %broadcast_in_dim3A_56 = vector.broadcast %broadcast_in_dim3A_55 : i32 to vector<16xi32>
      %ge3A = arith.constant 19 : i32
      %ge3A_57 = vector.broadcast %ge3A : i32 to vector<16xi32>
      %ge3A_58 = arith.cmpi sge, %abs3A, %ge3A_57 : vector<16xi32>
      %convert_element_type3A = arith.extui %ge3A_58 : vector<16xi1> to vector<16xi32>
      %add3A_59 = arith.addi %broadcast_in_dim3A_56, %convert_element_type3A : vector<16xi32>
      %ge3A_60 = arith.constant 21 : i32
      %ge3A_61 = vector.broadcast %ge3A_60 : i32 to vector<16xi32>
      %ge3A_62 = arith.cmpi sge, %abs3A, %ge3A_61 : vector<16xi32>
      %convert_element_type3A_63 = arith.extui %ge3A_62 : vector<16xi1> to vector<16xi32>
      %add3A_64 = arith.addi %add3A_59, %convert_element_type3A_63 : vector<16xi32>
      %ge3A_65 = arith.constant 24 : i32
      %ge3A_66 = vector.broadcast %ge3A_65 : i32 to vector<16xi32>
      %ge3A_67 = arith.cmpi sge, %abs3A, %ge3A_66 : vector<16xi32>
      %convert_element_type3A_68 = arith.extui %ge3A_67 : vector<16xi1> to vector<16xi32>
      %add3A_69 = arith.addi %add3A_64, %convert_element_type3A_68 : vector<16xi32>
      %ge3A_70 = arith.constant 27 : i32
      %ge3A_71 = vector.broadcast %ge3A_70 : i32 to vector<16xi32>
      %ge3A_72 = arith.cmpi sge, %abs3A, %ge3A_71 : vector<16xi32>
      %convert_element_type3A_73 = arith.extui %ge3A_72 : vector<16xi1> to vector<16xi32>
      %add3A_74 = arith.addi %add3A_69, %convert_element_type3A_73 : vector<16xi32>
      %ge3A_75 = arith.constant 31 : i32
      %ge3A_76 = vector.broadcast %ge3A_75 : i32 to vector<16xi32>
      %ge3A_77 = arith.cmpi sge, %abs3A, %ge3A_76 : vector<16xi32>
      %convert_element_type3A_78 = arith.extui %ge3A_77 : vector<16xi1> to vector<16xi32>
      %add3A_79 = arith.addi %add3A_74, %convert_element_type3A_78 : vector<16xi32>
      %ge3A_80 = arith.constant 35 : i32
      %ge3A_81 = vector.broadcast %ge3A_80 : i32 to vector<16xi32>
      %ge3A_82 = arith.cmpi sge, %abs3A, %ge3A_81 : vector<16xi32>
      %convert_element_type3A_83 = arith.extui %ge3A_82 : vector<16xi1> to vector<16xi32>
      %add3A_84 = arith.addi %add3A_79, %convert_element_type3A_83 : vector<16xi32>
      %ge3A_85 = arith.constant 40 : i32
      %ge3A_86 = vector.broadcast %ge3A_85 : i32 to vector<16xi32>
      %ge3A_87 = arith.cmpi sge, %abs3A, %ge3A_86 : vector<16xi32>
      %convert_element_type3A_88 = arith.extui %ge3A_87 : vector<16xi1> to vector<16xi32>
      %add3A_89 = arith.addi %add3A_84, %convert_element_type3A_88 : vector<16xi32>
      %ge3A_90 = arith.constant 46 : i32
      %ge3A_91 = vector.broadcast %ge3A_90 : i32 to vector<16xi32>
      %ge3A_92 = arith.cmpi sge, %abs3A, %ge3A_91 : vector<16xi32>
      %convert_element_type3A_93 = arith.extui %ge3A_92 : vector<16xi1> to vector<16xi32>
      %add3A_94 = arith.addi %add3A_89, %convert_element_type3A_93 : vector<16xi32>
      %ge3A_95 = arith.constant 52 : i32
      %ge3A_96 = vector.broadcast %ge3A_95 : i32 to vector<16xi32>
      %ge3A_97 = arith.cmpi sge, %abs3A, %ge3A_96 : vector<16xi32>
      %convert_element_type3A_98 = arith.extui %ge3A_97 : vector<16xi1> to vector<16xi32>
      %add3A_99 = arith.addi %add3A_94, %convert_element_type3A_98 : vector<16xi32>
      %ge3A_100 = arith.constant 59 : i32
      %ge3A_101 = vector.broadcast %ge3A_100 : i32 to vector<16xi32>
      %ge3A_102 = arith.cmpi sge, %abs3A, %ge3A_101 : vector<16xi32>
      %convert_element_type3A_103 = arith.extui %ge3A_102 : vector<16xi1> to vector<16xi32>
      %add3A_104 = arith.addi %add3A_99, %convert_element_type3A_103 : vector<16xi32>
      %ge3A_105 = arith.constant 67 : i32
      %ge3A_106 = vector.broadcast %ge3A_105 : i32 to vector<16xi32>
      %ge3A_107 = arith.cmpi sge, %abs3A, %ge3A_106 : vector<16xi32>
      %convert_element_type3A_108 = arith.extui %ge3A_107 : vector<16xi1> to vector<16xi32>
      %add3A_109 = arith.addi %add3A_104, %convert_element_type3A_108 : vector<16xi32>
      %ge3A_110 = arith.constant 77 : i32
      %ge3A_111 = vector.broadcast %ge3A_110 : i32 to vector<16xi32>
      %ge3A_112 = arith.cmpi sge, %abs3A, %ge3A_111 : vector<16xi32>
      %convert_element_type3A_113 = arith.extui %ge3A_112 : vector<16xi1> to vector<16xi32>
      %add3A_114 = arith.addi %add3A_109, %convert_element_type3A_113 : vector<16xi32>
      %ge3A_115 = arith.constant 87 : i32
      %ge3A_116 = vector.broadcast %ge3A_115 : i32 to vector<16xi32>
      %ge3A_117 = arith.cmpi sge, %abs3A, %ge3A_116 : vector<16xi32>
      %convert_element_type3A_118 = arith.extui %ge3A_117 : vector<16xi1> to vector<16xi32>
      %add3A_119 = arith.addi %add3A_114, %convert_element_type3A_118 : vector<16xi32>
      %ge3A_120 = arith.constant 99 : i32
      %ge3A_121 = vector.broadcast %ge3A_120 : i32 to vector<16xi32>
      %ge3A_122 = arith.cmpi sge, %abs3A, %ge3A_121 : vector<16xi32>
      %convert_element_type3A_123 = arith.extui %ge3A_122 : vector<16xi1> to vector<16xi32>
      %add3A_124 = arith.addi %add3A_119, %convert_element_type3A_123 : vector<16xi32>
      %ge3A_125 = arith.constant 113 : i32
      %ge3A_126 = vector.broadcast %ge3A_125 : i32 to vector<16xi32>
      %ge3A_127 = arith.cmpi sge, %abs3A, %ge3A_126 : vector<16xi32>
      %convert_element_type3A_128 = arith.extui %ge3A_127 : vector<16xi1> to vector<16xi32>
      %add3A_129 = arith.addi %add3A_124, %convert_element_type3A_128 : vector<16xi32>
      %lt3A_130 = arith.constant 16 : i32
      %lt3A_131 = vector.broadcast %lt3A_130 : i32 to vector<16xi32>
      %lt3A_132 = arith.cmpi slt, %abs3A, %lt3A_131 : vector<16xi32>
      %select_n3A_133 = arith.select %lt3A_132, %abs3A, %add3A_129 : vector<16xi1>, vector<16xi32>
      %mul3A_134 = arith.constant 16 : i32
      %mul3A_135 = vector.broadcast %mul3A_134 : i32 to vector<16xi32>
      %mul3A_136 = arith.muli %select_n3A_133, %mul3A_135 : vector<16xi32>
      %add3A_137 = arith.addi %mul3A_136, %add3A_34 : vector<16xi32>
      %gather3A = tpu.vector_load_idx %arg5[%add3A_137] : memref<512xf32, #tpu.memory_space<vmem>>[vector<16xi32>], vector<16xf32>,
      %mul3A_138 = arith.constant 16 : i32
      %mul3A_139 = arith.muli %scan3A_45, %mul3A_138 : i32
      %swap3A = arith.index_cast %mul3A_139 : i32 to index
      %swap3A_140 = tpu.vector_load %arg7[%swap3A] {strides = array<i32>} : memref<2112xf32, #tpu.memory_space<vmem>>, vector<16xf32>,
      tpu.vector_store %arg7[%swap3A], %gather3A {strides = array<i32>} : memref<2112xf32, #tpu.memory_space<vmem>>, vector<16xf32>,
    }
    %scan3A_41 = arith.constant 132 : i32
    %mul3A_42 = arith.constant 4224 : i32
    %mul3A_43 = arith.muli %select_n3A, %mul3A_42 : i32
    %add3A_44 = arith.addi %mul3A_43, %mul3A_36 : i32
    "tpu.region"() ({
      %run_scoped3A = tpu.sem_alloc : memref<!tpu.dma_semaphore, #tpu.memory_space<semaphore_mem>>
      %dma_start3A = tpu.memref_slice %arg4[%add3A_44] : memref<67584xf32, #tpu.memory_space<hbm>> -> memref<2112xf32, #tpu.memory_space<hbm>>
      %dma_start3A_45 = tpu.memref_slice %arg4[%add3A_44] : memref<67584xf32, #tpu.memory_space<hbm>> -> memref<2112xf32, #tpu.memory_space<hbm>>
      tpu.enqueue_dma source(%arg7 : memref<2112xf32, #tpu.memory_space<vmem>>) target(%dma_start3A_45 : memref<2112xf32, #tpu.memory_space<hbm>>) target_semaphore(%run_scoped3A : memref<!tpu.dma_semaphore, #tpu.memory_space<semaphore_mem>>)
      %dma_wait3A = tpu.memref_slice %arg4[%add3A_44] : memref<67584xf32, #tpu.memory_space<hbm>> -> memref<2112xf32, #tpu.memory_space<hbm>>
      %dma_wait3A_46 = tpu.memref_slice %arg4[%add3A_44] : memref<67584xf32, #tpu.memory_space<hbm>> -> memref<2112xf32, #tpu.memory_space<hbm>>
      tpu.wait_dma2 semaphore(%run_scoped3A : memref<!tpu.dma_semaphore, #tpu.memory_space<semaphore_mem>>) src(%arg7 : memref<2112xf32, #tpu.memory_space<vmem>>) dst(%dma_wait3A_46 : memref<2112xf32, #tpu.memory_space<hbm>>)
      tpu.yield
    }) : () -> ()
    return
  }
}

module attributes {stable_mosaic.version = 14 : i64} {
  func.func @_tc_body(%arg0: i32, %arg1: memref<1x1x4224xf32, #tpu.memory_space<vmem>>, %arg2: memref<1x16x2048x2048xf32, #tpu.memory_space<any>>, %arg3: memref<2x128x4224xf32, #tpu.memory_space<vmem>>, %arg4: memref<!tpu.dma_semaphore, #tpu.memory_space<semaphore_mem>>, %arg5: memref<!tpu.dma_semaphore, #tpu.memory_space<semaphore_mem>>) attributes {dimension_semantics = [#tpu.dimension_semantics<arbitrary>], iteration_bounds = array<i64: 16>, scalar_prefetch = 0 : i64, scratch_operands = 3 : i64, tpu.core_type = #tpu.core_type<tc>, window_params = [{transform_indices = @transform_0, window_bounds = array<i64: 1, 1, 4224>}, {}]} {
    %jit3A = arith.constant 2 : i32
    %eq3A = arith.constant 0 : i32
    %eq3A_0 = arith.cmpi eq, %jit3A, %eq3A : i32
    %jit3A_1 = arith.constant 1 : i32
    %select_n3A = arith.select %eq3A_0, %jit3A_1, %jit3A : i32
    %rem3A = arith.remsi %arg0, %select_n3A : i32
    %ne3A = arith.constant 0 : i32
    %ne3A_2 = arith.cmpi ne, %rem3A, %ne3A : i32
    %lt3A = arith.constant 0 : i32
    %lt3A_3 = arith.cmpi slt, %rem3A, %lt3A : i32
    %lt3A_4 = arith.constant 0 : i32
    %lt3A_5 = arith.cmpi slt, %select_n3A, %lt3A_4 : i32
    %ne3A_6 = arith.xori %lt3A_3, %lt3A_5 : i1
    %and3A = arith.andi %ne3A_6, %ne3A_2 : i1
    %add3A = arith.addi %rem3A, %select_n3A : i32
    %select_n3A_7 = arith.select %and3A, %add3A, %rem3A : i32
    %eq3A_8 = arith.constant 0 : i32
    %eq3A_9 = arith.cmpi eq, %select_n3A_7, %eq3A_8 : i32
    %convert_element_type3A = arith.extui %eq3A_9 : i1 to i32
    %cond3A = arith.constant 0 : i32
    %cond3A_10 = arith.cmpi ne, %convert_element_type3A, %cond3A : i32
    scf.if %cond3A_10 {
      %ge3A = arith.constant 2 : i32
      %ge3A_20 = arith.cmpi sge, %arg0, %ge3A : i32
      %convert_element_type3A_21 = arith.extui %ge3A_20 : i1 to i32
      %cond3A_22 = arith.constant 0 : i32
      %cond3A_23 = arith.cmpi ne, %convert_element_type3A_21, %cond3A_22 : i32
      scf.if %cond3A_23 {
        %sub3A = arith.constant 2 : i32
        %sub3A_255 = arith.subi %arg0, %sub3A : i32
        %dma_wait3A = arith.constant 0 : i32
        %dma_wait3A_256 = arith.constant 0 : i32
        %dma_wait3A_257 = arith.constant 0 : i32
        %dma_wait3A_258 = arith.constant 0 : i32
        %dma_wait3A_259 = tpu.memref_slice %arg2[%dma_wait3A_256, %sub3A_255, %dma_wait3A_257, %dma_wait3A_258] : memref<1x16x2048x2048xf32, #tpu.memory_space<any>> -> memref<1x1x128x2048xf32, #tpu.memory_space<any>>
        %dma_wait3A_260 = tpu.memref_squeeze %dma_wait3A_259 : memref<1x1x128x2048xf32, #tpu.memory_space<any>> -> memref<128x2048xf32, #tpu.memory_space<any>>
        %dma_wait3A_261 = arith.constant 0 : i32
        %dma_wait3A_262 = arith.constant 2048 : i32
        %dma_wait3A_263 = tpu.memref_slice %arg3[%dma_wait3A, %dma_wait3A_261, %dma_wait3A_262] : memref<2x128x4224xf32, #tpu.memory_space<vmem>> -> memref<1x128x2048xf32, #tpu.memory_space<vmem>>
        %dma_wait3A_264 = tpu.memref_squeeze %dma_wait3A_263 : memref<1x128x2048xf32, #tpu.memory_space<vmem>> -> memref<128x2048xf32, #tpu.memory_space<vmem>>
        tpu.wait_dma2 semaphore(%arg4 : memref<!tpu.dma_semaphore, #tpu.memory_space<semaphore_mem>>) src(%dma_wait3A_264 : memref<128x2048xf32, #tpu.memory_space<vmem>>) dst(%dma_wait3A_260 : memref<128x2048xf32, #tpu.memory_space<any>>)
        %dma_wait3A_265 = arith.constant 0 : i32
        %dma_wait3A_266 = arith.constant 0 : i32
        %dma_wait3A_267 = arith.constant 128 : i32
        %dma_wait3A_268 = arith.constant 0 : i32
        %dma_wait3A_269 = tpu.memref_slice %arg2[%dma_wait3A_266, %sub3A_255, %dma_wait3A_267, %dma_wait3A_268] : memref<1x16x2048x2048xf32, #tpu.memory_space<any>> -> memref<1x1x128x2048xf32, #tpu.memory_space<any>>
        %dma_wait3A_270 = tpu.memref_squeeze %dma_wait3A_269 : memref<1x1x128x2048xf32, #tpu.memory_space<any>> -> memref<128x2048xf32, #tpu.memory_space<any>>
        %dma_wait3A_271 = arith.constant 0 : i32
        %dma_wait3A_272 = arith.constant 1920 : i32
        %dma_wait3A_273 = tpu.memref_slice %arg3[%dma_wait3A_265, %dma_wait3A_271, %dma_wait3A_272] : memref<2x128x4224xf32, #tpu.memory_space<vmem>> -> memref<1x128x2048xf32, #tpu.memory_space<vmem>>
        %dma_wait3A_274 = tpu.memref_squeeze %dma_wait3A_273 : memref<1x128x2048xf32, #tpu.memory_space<vmem>> -> memref<128x2048xf32, #tpu.memory_space<vmem>>
        tpu.wait_dma2 semaphore(%arg4 : memref<!tpu.dma_semaphore, #tpu.memory_space<semaphore_mem>>) src(%dma_wait3A_274 : memref<128x2048xf32, #tpu.memory_space<vmem>>) dst(%dma_wait3A_270 : memref<128x2048xf32, #tpu.memory_space<any>>)
        %dma_wait3A_275 = arith.constant 0 : i32
        %dma_wait3A_276 = arith.constant 0 : i32
        %dma_wait3A_277 = arith.constant 256 : i32
        %dma_wait3A_278 = arith.constant 0 : i32
        %dma_wait3A_279 = tpu.memref_slice %arg2[%dma_wait3A_276, %sub3A_255, %dma_wait3A_277, %dma_wait3A_278] : memref<1x16x2048x2048xf32, #tpu.memory_space<any>> -> memref<1x1x128x2048xf32, #tpu.memory_space<any>>
        %dma_wait3A_280 = tpu.memref_squeeze %dma_wait3A_279 : memref<1x1x128x2048xf32, #tpu.memory_space<any>> -> memref<128x2048xf32, #tpu.memory_space<any>>
        %dma_wait3A_281 = arith.constant 0 : i32
        %dma_wait3A_282 = arith.constant 1792 : i32
        %dma_wait3A_283 = tpu.memref_slice %arg3[%dma_wait3A_275, %dma_wait3A_281, %dma_wait3A_282] : memref<2x128x4224xf32, #tpu.memory_space<vmem>> -> memref<1x128x2048xf32, #tpu.memory_space<vmem>>
        %dma_wait3A_284 = tpu.memref_squeeze %dma_wait3A_283 : memref<1x128x2048xf32, #tpu.memory_space<vmem>> -> memref<128x2048xf32, #tpu.memory_space<vmem>>
        tpu.wait_dma2 semaphore(%arg4 : memref<!tpu.dma_semaphore, #tpu.memory_space<semaphore_mem>>) src(%dma_wait3A_284 : memref<128x2048xf32, #tpu.memory_space<vmem>>) dst(%dma_wait3A_280 : memref<128x2048xf32, #tpu.memory_space<any>>)
        %dma_wait3A_285 = arith.constant 0 : i32
        %dma_wait3A_286 = arith.constant 0 : i32
        %dma_wait3A_287 = arith.constant 384 : i32
        %dma_wait3A_288 = arith.constant 0 : i32
        %dma_wait3A_289 = tpu.memref_slice %arg2[%dma_wait3A_286, %sub3A_255, %dma_wait3A_287, %dma_wait3A_288] : memref<1x16x2048x2048xf32, #tpu.memory_space<any>> -> memref<1x1x128x2048xf32, #tpu.memory_space<any>>
        %dma_wait3A_290 = tpu.memref_squeeze %dma_wait3A_289 : memref<1x1x128x2048xf32, #tpu.memory_space<any>> -> memref<128x2048xf32, #tpu.memory_space<any>>
        %dma_wait3A_291 = arith.constant 0 : i32
        %dma_wait3A_292 = arith.constant 1664 : i32
        %dma_wait3A_293 = tpu.memref_slice %arg3[%dma_wait3A_285, %dma_wait3A_291, %dma_wait3A_292] : memref<2x128x4224xf32, #tpu.memory_space<vmem>> -> memref<1x128x2048xf32, #tpu.memory_space<vmem>>
        %dma_wait3A_294 = tpu.memref_squeeze %dma_wait3A_293 : memref<1x128x2048xf32, #tpu.memory_space<vmem>> -> memref<128x2048xf32, #tpu.memory_space<vmem>>
        tpu.wait_dma2 semaphore(%arg4 : memref<!tpu.dma_semaphore, #tpu.memory_space<semaphore_mem>>) src(%dma_wait3A_294 : memref<128x2048xf32, #tpu.memory_space<vmem>>) dst(%dma_wait3A_290 : memref<128x2048xf32, #tpu.memory_space<any>>)
        %dma_wait3A_295 = arith.constant 0 : i32
        %dma_wait3A_296 = arith.constant 0 : i32
        %dma_wait3A_297 = arith.constant 512 : i32
        %dma_wait3A_298 = arith.constant 0 : i32
        %dma_wait3A_299 = tpu.memref_slice %arg2[%dma_wait3A_296, %sub3A_255, %dma_wait3A_297, %dma_wait3A_298] : memref<1x16x2048x2048xf32, #tpu.memory_space<any>> -> memref<1x1x128x2048xf32, #tpu.memory_space<any>>
        %dma_wait3A_300 = tpu.memref_squeeze %dma_wait3A_299 : memref<1x1x128x2048xf32, #tpu.memory_space<any>> -> memref<128x2048xf32, #tpu.memory_space<any>>
        %dma_wait3A_301 = arith.constant 0 : i32
        %dma_wait3A_302 = arith.constant 1536 : i32
        %dma_wait3A_303 = tpu.memref_slice %arg3[%dma_wait3A_295, %dma_wait3A_301, %dma_wait3A_302] : memref<2x128x4224xf32, #tpu.memory_space<vmem>> -> memref<1x128x2048xf32, #tpu.memory_space<vmem>>
        %dma_wait3A_304 = tpu.memref_squeeze %dma_wait3A_303 : memref<1x128x2048xf32, #tpu.memory_space<vmem>> -> memref<128x2048xf32, #tpu.memory_space<vmem>>
        tpu.wait_dma2 semaphore(%arg4 : memref<!tpu.dma_semaphore, #tpu.memory_space<semaphore_mem>>) src(%dma_wait3A_304 : memref<128x2048xf32, #tpu.memory_space<vmem>>) dst(%dma_wait3A_300 : memref<128x2048xf32, #tpu.memory_space<any>>)
        %dma_wait3A_305 = arith.constant 0 : i32
        %dma_wait3A_306 = arith.constant 0 : i32
        %dma_wait3A_307 = arith.constant 640 : i32
        %dma_wait3A_308 = arith.constant 0 : i32
        %dma_wait3A_309 = tpu.memref_slice %arg2[%dma_wait3A_306, %sub3A_255, %dma_wait3A_307, %dma_wait3A_308] : memref<1x16x2048x2048xf32, #tpu.memory_space<any>> -> memref<1x1x128x2048xf32, #tpu.memory_space<any>>
        %dma_wait3A_310 = tpu.memref_squeeze %dma_wait3A_309 : memref<1x1x128x2048xf32, #tpu.memory_space<any>> -> memref<128x2048xf32, #tpu.memory_space<any>>
        %dma_wait3A_311 = arith.constant 0 : i32
        %dma_wait3A_312 = arith.constant 1408 : i32
        %dma_wait3A_313 = tpu.memref_slice %arg3[%dma_wait3A_305, %dma_wait3A_311, %dma_wait3A_312] : memref<2x128x4224xf32, #tpu.memory_space<vmem>> -> memref<1x128x2048xf32, #tpu.memory_space<vmem>>
        %dma_wait3A_314 = tpu.memref_squeeze %dma_wait3A_313 : memref<1x128x2048xf32, #tpu.memory_space<vmem>> -> memref<128x2048xf32, #tpu.memory_space<vmem>>
        tpu.wait_dma2 semaphore(%arg4 : memref<!tpu.dma_semaphore, #tpu.memory_space<semaphore_mem>>) src(%dma_wait3A_314 : memref<128x2048xf32, #tpu.memory_space<vmem>>) dst(%dma_wait3A_310 : memref<128x2048xf32, #tpu.memory_space<any>>)
        %dma_wait3A_315 = arith.constant 0 : i32
        %dma_wait3A_316 = arith.constant 0 : i32
        %dma_wait3A_317 = arith.constant 768 : i32
        %dma_wait3A_318 = arith.constant 0 : i32
        %dma_wait3A_319 = tpu.memref_slice %arg2[%dma_wait3A_316, %sub3A_255, %dma_wait3A_317, %dma_wait3A_318] : memref<1x16x2048x2048xf32, #tpu.memory_space<any>> -> memref<1x1x128x2048xf32, #tpu.memory_space<any>>
        %dma_wait3A_320 = tpu.memref_squeeze %dma_wait3A_319 : memref<1x1x128x2048xf32, #tpu.memory_space<any>> -> memref<128x2048xf32, #tpu.memory_space<any>>
        %dma_wait3A_321 = arith.constant 0 : i32
        %dma_wait3A_322 = arith.constant 1280 : i32
        %dma_wait3A_323 = tpu.memref_slice %arg3[%dma_wait3A_315, %dma_wait3A_321, %dma_wait3A_322] : memref<2x128x4224xf32, #tpu.memory_space<vmem>> -> memref<1x128x2048xf32, #tpu.memory_space<vmem>>
        %dma_wait3A_324 = tpu.memref_squeeze %dma_wait3A_323 : memref<1x128x2048xf32, #tpu.memory_space<vmem>> -> memref<128x2048xf32, #tpu.memory_space<vmem>>
        tpu.wait_dma2 semaphore(%arg4 : memref<!tpu.dma_semaphore, #tpu.memory_space<semaphore_mem>>) src(%dma_wait3A_324 : memref<128x2048xf32, #tpu.memory_space<vmem>>) dst(%dma_wait3A_320 : memref<128x2048xf32, #tpu.memory_space<any>>)
        %dma_wait3A_325 = arith.constant 0 : i32
        %dma_wait3A_326 = arith.constant 0 : i32
        %dma_wait3A_327 = arith.constant 896 : i32
        %dma_wait3A_328 = arith.constant 0 : i32
        %dma_wait3A_329 = tpu.memref_slice %arg2[%dma_wait3A_326, %sub3A_255, %dma_wait3A_327, %dma_wait3A_328] : memref<1x16x2048x2048xf32, #tpu.memory_space<any>> -> memref<1x1x128x2048xf32, #tpu.memory_space<any>>
        %dma_wait3A_330 = tpu.memref_squeeze %dma_wait3A_329 : memref<1x1x128x2048xf32, #tpu.memory_space<any>> -> memref<128x2048xf32, #tpu.memory_space<any>>
        %dma_wait3A_331 = arith.constant 0 : i32
        %dma_wait3A_332 = arith.constant 1152 : i32
        %dma_wait3A_333 = tpu.memref_slice %arg3[%dma_wait3A_325, %dma_wait3A_331, %dma_wait3A_332] : memref<2x128x4224xf32, #tpu.memory_space<vmem>> -> memref<1x128x2048xf32, #tpu.memory_space<vmem>>
        %dma_wait3A_334 = tpu.memref_squeeze %dma_wait3A_333 : memref<1x128x2048xf32, #tpu.memory_space<vmem>> -> memref<128x2048xf32, #tpu.memory_space<vmem>>
        tpu.wait_dma2 semaphore(%arg4 : memref<!tpu.dma_semaphore, #tpu.memory_space<semaphore_mem>>) src(%dma_wait3A_334 : memref<128x2048xf32, #tpu.memory_space<vmem>>) dst(%dma_wait3A_330 : memref<128x2048xf32, #tpu.memory_space<any>>)
        %dma_wait3A_335 = arith.constant 0 : i32
        %dma_wait3A_336 = arith.constant 0 : i32
        %dma_wait3A_337 = arith.constant 1024 : i32
        %dma_wait3A_338 = arith.constant 0 : i32
        %dma_wait3A_339 = tpu.memref_slice %arg2[%dma_wait3A_336, %sub3A_255, %dma_wait3A_337, %dma_wait3A_338] : memref<1x16x2048x2048xf32, #tpu.memory_space<any>> -> memref<1x1x128x2048xf32, #tpu.memory_space<any>>
        %dma_wait3A_340 = tpu.memref_squeeze %dma_wait3A_339 : memref<1x1x128x2048xf32, #tpu.memory_space<any>> -> memref<128x2048xf32, #tpu.memory_space<any>>
        %dma_wait3A_341 = arith.constant 0 : i32
        %dma_wait3A_342 = arith.constant 1024 : i32
        %dma_wait3A_343 = tpu.memref_slice %arg3[%dma_wait3A_335, %dma_wait3A_341, %dma_wait3A_342] : memref<2x128x4224xf32, #tpu.memory_space<vmem>> -> memref<1x128x2048xf32, #tpu.memory_space<vmem>>
        %dma_wait3A_344 = tpu.memref_squeeze %dma_wait3A_343 : memref<1x128x2048xf32, #tpu.memory_space<vmem>> -> memref<128x2048xf32, #tpu.memory_space<vmem>>
        tpu.wait_dma2 semaphore(%arg4 : memref<!tpu.dma_semaphore, #tpu.memory_space<semaphore_mem>>) src(%dma_wait3A_344 : memref<128x2048xf32, #tpu.memory_space<vmem>>) dst(%dma_wait3A_340 : memref<128x2048xf32, #tpu.memory_space<any>>)
        %dma_wait3A_345 = arith.constant 0 : i32
        %dma_wait3A_346 = arith.constant 0 : i32
        %dma_wait3A_347 = arith.constant 1152 : i32
        %dma_wait3A_348 = arith.constant 0 : i32
        %dma_wait3A_349 = tpu.memref_slice %arg2[%dma_wait3A_346, %sub3A_255, %dma_wait3A_347, %dma_wait3A_348] : memref<1x16x2048x2048xf32, #tpu.memory_space<any>> -> memref<1x1x128x2048xf32, #tpu.memory_space<any>>
        %dma_wait3A_350 = tpu.memref_squeeze %dma_wait3A_349 : memref<1x1x128x2048xf32, #tpu.memory_space<any>> -> memref<128x2048xf32, #tpu.memory_space<any>>
        %dma_wait3A_351 = arith.constant 0 : i32
        %dma_wait3A_352 = arith.constant 896 : i32
        %dma_wait3A_353 = tpu.memref_slice %arg3[%dma_wait3A_345, %dma_wait3A_351, %dma_wait3A_352] : memref<2x128x4224xf32, #tpu.memory_space<vmem>> -> memref<1x128x2048xf32, #tpu.memory_space<vmem>>
        %dma_wait3A_354 = tpu.memref_squeeze %dma_wait3A_353 : memref<1x128x2048xf32, #tpu.memory_space<vmem>> -> memref<128x2048xf32, #tpu.memory_space<vmem>>
        tpu.wait_dma2 semaphore(%arg4 : memref<!tpu.dma_semaphore, #tpu.memory_space<semaphore_mem>>) src(%dma_wait3A_354 : memref<128x2048xf32, #tpu.memory_space<vmem>>) dst(%dma_wait3A_350 : memref<128x2048xf32, #tpu.memory_space<any>>)
        %dma_wait3A_355 = arith.constant 0 : i32
        %dma_wait3A_356 = arith.constant 0 : i32
        %dma_wait3A_357 = arith.constant 1280 : i32
        %dma_wait3A_358 = arith.constant 0 : i32
        %dma_wait3A_359 = tpu.memref_slice %arg2[%dma_wait3A_356, %sub3A_255, %dma_wait3A_357, %dma_wait3A_358] : memref<1x16x2048x2048xf32, #tpu.memory_space<any>> -> memref<1x1x128x2048xf32, #tpu.memory_space<any>>
        %dma_wait3A_360 = tpu.memref_squeeze %dma_wait3A_359 : memref<1x1x128x2048xf32, #tpu.memory_space<any>> -> memref<128x2048xf32, #tpu.memory_space<any>>
        %dma_wait3A_361 = arith.constant 0 : i32
        %dma_wait3A_362 = arith.constant 768 : i32
        %dma_wait3A_363 = tpu.memref_slice %arg3[%dma_wait3A_355, %dma_wait3A_361, %dma_wait3A_362] : memref<2x128x4224xf32, #tpu.memory_space<vmem>> -> memref<1x128x2048xf32, #tpu.memory_space<vmem>>
        %dma_wait3A_364 = tpu.memref_squeeze %dma_wait3A_363 : memref<1x128x2048xf32, #tpu.memory_space<vmem>> -> memref<128x2048xf32, #tpu.memory_space<vmem>>
        tpu.wait_dma2 semaphore(%arg4 : memref<!tpu.dma_semaphore, #tpu.memory_space<semaphore_mem>>) src(%dma_wait3A_364 : memref<128x2048xf32, #tpu.memory_space<vmem>>) dst(%dma_wait3A_360 : memref<128x2048xf32, #tpu.memory_space<any>>)
        %dma_wait3A_365 = arith.constant 0 : i32
        %dma_wait3A_366 = arith.constant 0 : i32
        %dma_wait3A_367 = arith.constant 1408 : i32
        %dma_wait3A_368 = arith.constant 0 : i32
        %dma_wait3A_369 = tpu.memref_slice %arg2[%dma_wait3A_366, %sub3A_255, %dma_wait3A_367, %dma_wait3A_368] : memref<1x16x2048x2048xf32, #tpu.memory_space<any>> -> memref<1x1x128x2048xf32, #tpu.memory_space<any>>
        %dma_wait3A_370 = tpu.memref_squeeze %dma_wait3A_369 : memref<1x1x128x2048xf32, #tpu.memory_space<any>> -> memref<128x2048xf32, #tpu.memory_space<any>>
        %dma_wait3A_371 = arith.constant 0 : i32
        %dma_wait3A_372 = arith.constant 640 : i32
        %dma_wait3A_373 = tpu.memref_slice %arg3[%dma_wait3A_365, %dma_wait3A_371, %dma_wait3A_372] : memref<2x128x4224xf32, #tpu.memory_space<vmem>> -> memref<1x128x2048xf32, #tpu.memory_space<vmem>>
        %dma_wait3A_374 = tpu.memref_squeeze %dma_wait3A_373 : memref<1x128x2048xf32, #tpu.memory_space<vmem>> -> memref<128x2048xf32, #tpu.memory_space<vmem>>
        tpu.wait_dma2 semaphore(%arg4 : memref<!tpu.dma_semaphore, #tpu.memory_space<semaphore_mem>>) src(%dma_wait3A_374 : memref<128x2048xf32, #tpu.memory_space<vmem>>) dst(%dma_wait3A_370 : memref<128x2048xf32, #tpu.memory_space<any>>)
        %dma_wait3A_375 = arith.constant 0 : i32
        %dma_wait3A_376 = arith.constant 0 : i32
        %dma_wait3A_377 = arith.constant 1536 : i32
        %dma_wait3A_378 = arith.constant 0 : i32
        %dma_wait3A_379 = tpu.memref_slice %arg2[%dma_wait3A_376, %sub3A_255, %dma_wait3A_377, %dma_wait3A_378] : memref<1x16x2048x2048xf32, #tpu.memory_space<any>> -> memref<1x1x128x2048xf32, #tpu.memory_space<any>>
        %dma_wait3A_380 = tpu.memref_squeeze %dma_wait3A_379 : memref<1x1x128x2048xf32, #tpu.memory_space<any>> -> memref<128x2048xf32, #tpu.memory_space<any>>
        %dma_wait3A_381 = arith.constant 0 : i32
        %dma_wait3A_382 = arith.constant 512 : i32
        %dma_wait3A_383 = tpu.memref_slice %arg3[%dma_wait3A_375, %dma_wait3A_381, %dma_wait3A_382] : memref<2x128x4224xf32, #tpu.memory_space<vmem>> -> memref<1x128x2048xf32, #tpu.memory_space<vmem>>
        %dma_wait3A_384 = tpu.memref_squeeze %dma_wait3A_383 : memref<1x128x2048xf32, #tpu.memory_space<vmem>> -> memref<128x2048xf32, #tpu.memory_space<vmem>>
        tpu.wait_dma2 semaphore(%arg4 : memref<!tpu.dma_semaphore, #tpu.memory_space<semaphore_mem>>) src(%dma_wait3A_384 : memref<128x2048xf32, #tpu.memory_space<vmem>>) dst(%dma_wait3A_380 : memref<128x2048xf32, #tpu.memory_space<any>>)
        %dma_wait3A_385 = arith.constant 0 : i32
        %dma_wait3A_386 = arith.constant 0 : i32
        %dma_wait3A_387 = arith.constant 1664 : i32
        %dma_wait3A_388 = arith.constant 0 : i32
        %dma_wait3A_389 = tpu.memref_slice %arg2[%dma_wait3A_386, %sub3A_255, %dma_wait3A_387, %dma_wait3A_388] : memref<1x16x2048x2048xf32, #tpu.memory_space<any>> -> memref<1x1x128x2048xf32, #tpu.memory_space<any>>
        %dma_wait3A_390 = tpu.memref_squeeze %dma_wait3A_389 : memref<1x1x128x2048xf32, #tpu.memory_space<any>> -> memref<128x2048xf32, #tpu.memory_space<any>>
        %dma_wait3A_391 = arith.constant 0 : i32
        %dma_wait3A_392 = arith.constant 384 : i32
        %dma_wait3A_393 = tpu.memref_slice %arg3[%dma_wait3A_385, %dma_wait3A_391, %dma_wait3A_392] : memref<2x128x4224xf32, #tpu.memory_space<vmem>> -> memref<1x128x2048xf32, #tpu.memory_space<vmem>>
        %dma_wait3A_394 = tpu.memref_squeeze %dma_wait3A_393 : memref<1x128x2048xf32, #tpu.memory_space<vmem>> -> memref<128x2048xf32, #tpu.memory_space<vmem>>
        tpu.wait_dma2 semaphore(%arg4 : memref<!tpu.dma_semaphore, #tpu.memory_space<semaphore_mem>>) src(%dma_wait3A_394 : memref<128x2048xf32, #tpu.memory_space<vmem>>) dst(%dma_wait3A_390 : memref<128x2048xf32, #tpu.memory_space<any>>)
        %dma_wait3A_395 = arith.constant 0 : i32
        %dma_wait3A_396 = arith.constant 0 : i32
        %dma_wait3A_397 = arith.constant 1792 : i32
        %dma_wait3A_398 = arith.constant 0 : i32
        %dma_wait3A_399 = tpu.memref_slice %arg2[%dma_wait3A_396, %sub3A_255, %dma_wait3A_397, %dma_wait3A_398] : memref<1x16x2048x2048xf32, #tpu.memory_space<any>> -> memref<1x1x128x2048xf32, #tpu.memory_space<any>>
        %dma_wait3A_400 = tpu.memref_squeeze %dma_wait3A_399 : memref<1x1x128x2048xf32, #tpu.memory_space<any>> -> memref<128x2048xf32, #tpu.memory_space<any>>
        %dma_wait3A_401 = arith.constant 0 : i32
        %dma_wait3A_402 = arith.constant 256 : i32
        %dma_wait3A_403 = tpu.memref_slice %arg3[%dma_wait3A_395, %dma_wait3A_401, %dma_wait3A_402] : memref<2x128x4224xf32, #tpu.memory_space<vmem>> -> memref<1x128x2048xf32, #tpu.memory_space<vmem>>
        %dma_wait3A_404 = tpu.memref_squeeze %dma_wait3A_403 : memref<1x128x2048xf32, #tpu.memory_space<vmem>> -> memref<128x2048xf32, #tpu.memory_space<vmem>>
        tpu.wait_dma2 semaphore(%arg4 : memref<!tpu.dma_semaphore, #tpu.memory_space<semaphore_mem>>) src(%dma_wait3A_404 : memref<128x2048xf32, #tpu.memory_space<vmem>>) dst(%dma_wait3A_400 : memref<128x2048xf32, #tpu.memory_space<any>>)
        %dma_wait3A_405 = arith.constant 0 : i32
        %dma_wait3A_406 = arith.constant 0 : i32
        %dma_wait3A_407 = arith.constant 1920 : i32
        %dma_wait3A_408 = arith.constant 0 : i32
        %dma_wait3A_409 = tpu.memref_slice %arg2[%dma_wait3A_406, %sub3A_255, %dma_wait3A_407, %dma_wait3A_408] : memref<1x16x2048x2048xf32, #tpu.memory_space<any>> -> memref<1x1x128x2048xf32, #tpu.memory_space<any>>
        %dma_wait3A_410 = tpu.memref_squeeze %dma_wait3A_409 : memref<1x1x128x2048xf32, #tpu.memory_space<any>> -> memref<128x2048xf32, #tpu.memory_space<any>>
        %dma_wait3A_411 = arith.constant 0 : i32
        %dma_wait3A_412 = arith.constant 128 : i32
        %dma_wait3A_413 = tpu.memref_slice %arg3[%dma_wait3A_405, %dma_wait3A_411, %dma_wait3A_412] : memref<2x128x4224xf32, #tpu.memory_space<vmem>> -> memref<1x128x2048xf32, #tpu.memory_space<vmem>>
        %dma_wait3A_414 = tpu.memref_squeeze %dma_wait3A_413 : memref<1x128x2048xf32, #tpu.memory_space<vmem>> -> memref<128x2048xf32, #tpu.memory_space<vmem>>
        tpu.wait_dma2 semaphore(%arg4 : memref<!tpu.dma_semaphore, #tpu.memory_space<semaphore_mem>>) src(%dma_wait3A_414 : memref<128x2048xf32, #tpu.memory_space<vmem>>) dst(%dma_wait3A_410 : memref<128x2048xf32, #tpu.memory_space<any>>)
      } else {
      }
      %get3A = arith.constant 0 : index
      %get3A_24 = arith.constant 0 : index
      %get3A_25 = arith.constant 0 : index
      %get3A_26 = vector.load %arg1[%get3A, %get3A_24, %get3A_25] : memref<1x1x4224xf32, #tpu.memory_space<vmem>>, vector<1x1x4224xf32>
      %get3A_27 = vector.shape_cast %get3A_26 : vector<1x1x4224xf32> to vector<1x4224xf32>
      %broadcast_in_dim3A = vector.shape_cast %get3A_27 : vector<1x4224xf32> to vector<1x4224xf32>
      %broadcast_in_dim3A_28 = vector.broadcast %broadcast_in_dim3A : vector<1x4224xf32> to vector<128x4224xf32>
      %iota3A = tpu.iota {dimensions = array<i32: 0>} : vector<128x4224xi32>
      %and3A_29 = arith.constant 1 : i32
      %and3A_30 = vector.broadcast %and3A_29 : i32 to vector<128x4224xi32>
      %and3A_31 = arith.andi %iota3A, %and3A_30 : vector<128x4224xi32>
      %ne3A_32 = arith.constant 0 : i32
      %ne3A_33 = vector.broadcast %ne3A_32 : i32 to vector<128x4224xi32>
      %ne3A_34 = arith.cmpi ne, %and3A_31, %ne3A_33 : vector<128x4224xi32>
      %roll3A = arith.constant 1 : i32
      %roll3A_35 = tpu.dynamic_rotate %broadcast_in_dim3A_28 by %roll3A dim 1 : vector<128x4224xf32>, i32 -> vector<128x4224xf32>
      %select_n3A_36 = arith.select %ne3A_34, %roll3A_35, %broadcast_in_dim3A_28 : vector<128x4224xi1>, vector<128x4224xf32>
      %and3A_37 = arith.constant 2 : i32
      %and3A_38 = vector.broadcast %and3A_37 : i32 to vector<128x4224xi32>
      %and3A_39 = arith.andi %iota3A, %and3A_38 : vector<128x4224xi32>
      %ne3A_40 = arith.constant 0 : i32
      %ne3A_41 = vector.broadcast %ne3A_40 : i32 to vector<128x4224xi32>
      %ne3A_42 = arith.cmpi ne, %and3A_39, %ne3A_41 : vector<128x4224xi32>
      %roll3A_43 = arith.constant 2 : i32
      %roll3A_44 = tpu.dynamic_rotate %select_n3A_36 by %roll3A_43 dim 1 : vector<128x4224xf32>, i32 -> vector<128x4224xf32>
      %select_n3A_45 = arith.select %ne3A_42, %roll3A_44, %select_n3A_36 : vector<128x4224xi1>, vector<128x4224xf32>
      %and3A_46 = arith.constant 4 : i32
      %and3A_47 = vector.broadcast %and3A_46 : i32 to vector<128x4224xi32>
      %and3A_48 = arith.andi %iota3A, %and3A_47 : vector<128x4224xi32>
      %ne3A_49 = arith.constant 0 : i32
      %ne3A_50 = vector.broadcast %ne3A_49 : i32 to vector<128x4224xi32>
      %ne3A_51 = arith.cmpi ne, %and3A_48, %ne3A_50 : vector<128x4224xi32>
      %roll3A_52 = arith.constant 4 : i32
      %roll3A_53 = tpu.dynamic_rotate %select_n3A_45 by %roll3A_52 dim 1 : vector<128x4224xf32>, i32 -> vector<128x4224xf32>
      %select_n3A_54 = arith.select %ne3A_51, %roll3A_53, %select_n3A_45 : vector<128x4224xi1>, vector<128x4224xf32>
      %and3A_55 = arith.constant 8 : i32
      %and3A_56 = vector.broadcast %and3A_55 : i32 to vector<128x4224xi32>
      %and3A_57 = arith.andi %iota3A, %and3A_56 : vector<128x4224xi32>
      %ne3A_58 = arith.constant 0 : i32
      %ne3A_59 = vector.broadcast %ne3A_58 : i32 to vector<128x4224xi32>
      %ne3A_60 = arith.cmpi ne, %and3A_57, %ne3A_59 : vector<128x4224xi32>
      %roll3A_61 = arith.constant 8 : i32
      %roll3A_62 = tpu.dynamic_rotate %select_n3A_54 by %roll3A_61 dim 1 : vector<128x4224xf32>, i32 -> vector<128x4224xf32>
      %select_n3A_63 = arith.select %ne3A_60, %roll3A_62, %select_n3A_54 : vector<128x4224xi1>, vector<128x4224xf32>
      %and3A_64 = arith.constant 16 : i32
      %and3A_65 = vector.broadcast %and3A_64 : i32 to vector<128x4224xi32>
      %and3A_66 = arith.andi %iota3A, %and3A_65 : vector<128x4224xi32>
      %ne3A_67 = arith.constant 0 : i32
      %ne3A_68 = vector.broadcast %ne3A_67 : i32 to vector<128x4224xi32>
      %ne3A_69 = arith.cmpi ne, %and3A_66, %ne3A_68 : vector<128x4224xi32>
      %roll3A_70 = arith.constant 16 : i32
      %roll3A_71 = tpu.dynamic_rotate %select_n3A_63 by %roll3A_70 dim 1 : vector<128x4224xf32>, i32 -> vector<128x4224xf32>
      %select_n3A_72 = arith.select %ne3A_69, %roll3A_71, %select_n3A_63 : vector<128x4224xi1>, vector<128x4224xf32>
      %and3A_73 = arith.constant 32 : i32
      %and3A_74 = vector.broadcast %and3A_73 : i32 to vector<128x4224xi32>
      %and3A_75 = arith.andi %iota3A, %and3A_74 : vector<128x4224xi32>
      %ne3A_76 = arith.constant 0 : i32
      %ne3A_77 = vector.broadcast %ne3A_76 : i32 to vector<128x4224xi32>
      %ne3A_78 = arith.cmpi ne, %and3A_75, %ne3A_77 : vector<128x4224xi32>
      %roll3A_79 = arith.constant 32 : i32
      %roll3A_80 = tpu.dynamic_rotate %select_n3A_72 by %roll3A_79 dim 1 : vector<128x4224xf32>, i32 -> vector<128x4224xf32>
      %select_n3A_81 = arith.select %ne3A_78, %roll3A_80, %select_n3A_72 : vector<128x4224xi1>, vector<128x4224xf32>
      %and3A_82 = arith.constant 64 : i32
      %and3A_83 = vector.broadcast %and3A_82 : i32 to vector<128x4224xi32>
      %and3A_84 = arith.andi %iota3A, %and3A_83 : vector<128x4224xi32>
      %ne3A_85 = arith.constant 0 : i32
      %ne3A_86 = vector.broadcast %ne3A_85 : i32 to vector<128x4224xi32>
      %ne3A_87 = arith.cmpi ne, %and3A_84, %ne3A_86 : vector<128x4224xi32>
      %roll3A_88 = arith.constant 64 : i32
      %roll3A_89 = tpu.dynamic_rotate %select_n3A_81 by %roll3A_88 dim 1 : vector<128x4224xf32>, i32 -> vector<128x4224xf32>
      %select_n3A_90 = arith.select %ne3A_87, %roll3A_89, %select_n3A_81 : vector<128x4224xi1>, vector<128x4224xf32>
      %swap3A = arith.constant 0 : index
      %swap3A_91 = arith.constant 0 : index
      %swap3A_92 = arith.constant 0 : index
      %swap3A_93 = vector.load %arg3[%swap3A, %swap3A_91, %swap3A_92] : memref<2x128x4224xf32, #tpu.memory_space<vmem>>, vector<1x128x4224xf32>
      %swap3A_94 = vector.shape_cast %swap3A_93 : vector<1x128x4224xf32> to vector<128x4224xf32>
      %swap3A_95 = vector.shape_cast %select_n3A_90 : vector<128x4224xf32> to vector<1x128x4224xf32>
      tpu.vector_store %arg3[%swap3A, %swap3A_91, %swap3A_92], %swap3A_95 {strides = array<i32>} : memref<2x128x4224xf32, #tpu.memory_space<vmem>>, vector<1x128x4224xf32>,
      %dma_start3A = arith.constant 0 : i32
      %dma_start3A_96 = arith.constant 0 : i32
      %dma_start3A_97 = arith.constant 0 : i32
      %dma_start3A_98 = arith.constant 0 : i32
      %dma_start3A_99 = tpu.memref_slice %arg2[%dma_start3A_96, %arg0, %dma_start3A_97, %dma_start3A_98] : memref<1x16x2048x2048xf32, #tpu.memory_space<any>> -> memref<1x1x128x2048xf32, #tpu.memory_space<any>>
      %dma_start3A_100 = tpu.memref_squeeze %dma_start3A_99 : memref<1x1x128x2048xf32, #tpu.memory_space<any>> -> memref<128x2048xf32, #tpu.memory_space<any>>
      %dma_start3A_101 = arith.constant 0 : i32
      %dma_start3A_102 = arith.constant 2048 : i32
      %dma_start3A_103 = tpu.memref_slice %arg3[%dma_start3A, %dma_start3A_101, %dma_start3A_102] : memref<2x128x4224xf32, #tpu.memory_space<vmem>> -> memref<1x128x2048xf32, #tpu.memory_space<vmem>>
      %dma_start3A_104 = tpu.memref_squeeze %dma_start3A_103 : memref<1x128x2048xf32, #tpu.memory_space<vmem>> -> memref<128x2048xf32, #tpu.memory_space<vmem>>
      tpu.enqueue_dma source(%dma_start3A_104 : memref<128x2048xf32, #tpu.memory_space<vmem>>) target(%dma_start3A_100 : memref<128x2048xf32, #tpu.memory_space<any>>) target_semaphore(%arg4 : memref<!tpu.dma_semaphore, #tpu.memory_space<semaphore_mem>>)
      %dma_start3A_105 = arith.constant 0 : i32
      %dma_start3A_106 = arith.constant 0 : i32
      %dma_start3A_107 = arith.constant 128 : i32
      %dma_start3A_108 = arith.constant 0 : i32
      %dma_start3A_109 = tpu.memref_slice %arg2[%dma_start3A_106, %arg0, %dma_start3A_107, %dma_start3A_108] : memref<1x16x2048x2048xf32, #tpu.memory_space<any>> -> memref<1x1x128x2048xf32, #tpu.memory_space<any>>
      %dma_start3A_110 = tpu.memref_squeeze %dma_start3A_109 : memref<1x1x128x2048xf32, #tpu.memory_space<any>> -> memref<128x2048xf32, #tpu.memory_space<any>>
      %dma_start3A_111 = arith.constant 0 : i32
      %dma_start3A_112 = arith.constant 1920 : i32
      %dma_start3A_113 = tpu.memref_slice %arg3[%dma_start3A_105, %dma_start3A_111, %dma_start3A_112] : memref<2x128x4224xf32, #tpu.memory_space<vmem>> -> memref<1x128x2048xf32, #tpu.memory_space<vmem>>
      %dma_start3A_114 = tpu.memref_squeeze %dma_start3A_113 : memref<1x128x2048xf32, #tpu.memory_space<vmem>> -> memref<128x2048xf32, #tpu.memory_space<vmem>>
      tpu.enqueue_dma source(%dma_start3A_114 : memref<128x2048xf32, #tpu.memory_space<vmem>>) target(%dma_start3A_110 : memref<128x2048xf32, #tpu.memory_space<any>>) target_semaphore(%arg4 : memref<!tpu.dma_semaphore, #tpu.memory_space<semaphore_mem>>)
      %dma_start3A_115 = arith.constant 0 : i32
      %dma_start3A_116 = arith.constant 0 : i32
      %dma_start3A_117 = arith.constant 256 : i32
      %dma_start3A_118 = arith.constant 0 : i32
      %dma_start3A_119 = tpu.memref_slice %arg2[%dma_start3A_116, %arg0, %dma_start3A_117, %dma_start3A_118] : memref<1x16x2048x2048xf32, #tpu.memory_space<any>> -> memref<1x1x128x2048xf32, #tpu.memory_space<any>>
      %dma_start3A_120 = tpu.memref_squeeze %dma_start3A_119 : memref<1x1x128x2048xf32, #tpu.memory_space<any>> -> memref<128x2048xf32, #tpu.memory_space<any>>
      %dma_start3A_121 = arith.constant 0 : i32
      %dma_start3A_122 = arith.constant 1792 : i32
      %dma_start3A_123 = tpu.memref_slice %arg3[%dma_start3A_115, %dma_start3A_121, %dma_start3A_122] : memref<2x128x4224xf32, #tpu.memory_space<vmem>> -> memref<1x128x2048xf32, #tpu.memory_space<vmem>>
      %dma_start3A_124 = tpu.memref_squeeze %dma_start3A_123 : memref<1x128x2048xf32, #tpu.memory_space<vmem>> -> memref<128x2048xf32, #tpu.memory_space<vmem>>
      tpu.enqueue_dma source(%dma_start3A_124 : memref<128x2048xf32, #tpu.memory_space<vmem>>) target(%dma_start3A_120 : memref<128x2048xf32, #tpu.memory_space<any>>) target_semaphore(%arg4 : memref<!tpu.dma_semaphore, #tpu.memory_space<semaphore_mem>>)
      %dma_start3A_125 = arith.constant 0 : i32
      %dma_start3A_126 = arith.constant 0 : i32
      %dma_start3A_127 = arith.constant 384 : i32
      %dma_start3A_128 = arith.constant 0 : i32
      %dma_start3A_129 = tpu.memref_slice %arg2[%dma_start3A_126, %arg0, %dma_start3A_127, %dma_start3A_128] : memref<1x16x2048x2048xf32, #tpu.memory_space<any>> -> memref<1x1x128x2048xf32, #tpu.memory_space<any>>
      %dma_start3A_130 = tpu.memref_squeeze %dma_start3A_129 : memref<1x1x128x2048xf32, #tpu.memory_space<any>> -> memref<128x2048xf32, #tpu.memory_space<any>>
      %dma_start3A_131 = arith.constant 0 : i32
      %dma_start3A_132 = arith.constant 1664 : i32
      %dma_start3A_133 = tpu.memref_slice %arg3[%dma_start3A_125, %dma_start3A_131, %dma_start3A_132] : memref<2x128x4224xf32, #tpu.memory_space<vmem>> -> memref<1x128x2048xf32, #tpu.memory_space<vmem>>
      %dma_start3A_134 = tpu.memref_squeeze %dma_start3A_133 : memref<1x128x2048xf32, #tpu.memory_space<vmem>> -> memref<128x2048xf32, #tpu.memory_space<vmem>>
      tpu.enqueue_dma source(%dma_start3A_134 : memref<128x2048xf32, #tpu.memory_space<vmem>>) target(%dma_start3A_130 : memref<128x2048xf32, #tpu.memory_space<any>>) target_semaphore(%arg4 : memref<!tpu.dma_semaphore, #tpu.memory_space<semaphore_mem>>)
      %dma_start3A_135 = arith.constant 0 : i32
      %dma_start3A_136 = arith.constant 0 : i32
      %dma_start3A_137 = arith.constant 512 : i32
      %dma_start3A_138 = arith.constant 0 : i32
      %dma_start3A_139 = tpu.memref_slice %arg2[%dma_start3A_136, %arg0, %dma_start3A_137, %dma_start3A_138] : memref<1x16x2048x2048xf32, #tpu.memory_space<any>> -> memref<1x1x128x2048xf32, #tpu.memory_space<any>>
      %dma_start3A_140 = tpu.memref_squeeze %dma_start3A_139 : memref<1x1x128x2048xf32, #tpu.memory_space<any>> -> memref<128x2048xf32, #tpu.memory_space<any>>
      %dma_start3A_141 = arith.constant 0 : i32
      %dma_start3A_142 = arith.constant 1536 : i32
      %dma_start3A_143 = tpu.memref_slice %arg3[%dma_start3A_135, %dma_start3A_141, %dma_start3A_142] : memref<2x128x4224xf32, #tpu.memory_space<vmem>> -> memref<1x128x2048xf32, #tpu.memory_space<vmem>>
      %dma_start3A_144 = tpu.memref_squeeze %dma_start3A_143 : memref<1x128x2048xf32, #tpu.memory_space<vmem>> -> memref<128x2048xf32, #tpu.memory_space<vmem>>
      tpu.enqueue_dma source(%dma_start3A_144 : memref<128x2048xf32, #tpu.memory_space<vmem>>) target(%dma_start3A_140 : memref<128x2048xf32, #tpu.memory_space<any>>) target_semaphore(%arg4 : memref<!tpu.dma_semaphore, #tpu.memory_space<semaphore_mem>>)
      %dma_start3A_145 = arith.constant 0 : i32
      %dma_start3A_146 = arith.constant 0 : i32
      %dma_start3A_147 = arith.constant 640 : i32
      %dma_start3A_148 = arith.constant 0 : i32
      %dma_start3A_149 = tpu.memref_slice %arg2[%dma_start3A_146, %arg0, %dma_start3A_147, %dma_start3A_148] : memref<1x16x2048x2048xf32, #tpu.memory_space<any>> -> memref<1x1x128x2048xf32, #tpu.memory_space<any>>
      %dma_start3A_150 = tpu.memref_squeeze %dma_start3A_149 : memref<1x1x128x2048xf32, #tpu.memory_space<any>> -> memref<128x2048xf32, #tpu.memory_space<any>>
      %dma_start3A_151 = arith.constant 0 : i32
      %dma_start3A_152 = arith.constant 1408 : i32
      %dma_start3A_153 = tpu.memref_slice %arg3[%dma_start3A_145, %dma_start3A_151, %dma_start3A_152] : memref<2x128x4224xf32, #tpu.memory_space<vmem>> -> memref<1x128x2048xf32, #tpu.memory_space<vmem>>
      %dma_start3A_154 = tpu.memref_squeeze %dma_start3A_153 : memref<1x128x2048xf32, #tpu.memory_space<vmem>> -> memref<128x2048xf32, #tpu.memory_space<vmem>>
      tpu.enqueue_dma source(%dma_start3A_154 : memref<128x2048xf32, #tpu.memory_space<vmem>>) target(%dma_start3A_150 : memref<128x2048xf32, #tpu.memory_space<any>>) target_semaphore(%arg4 : memref<!tpu.dma_semaphore, #tpu.memory_space<semaphore_mem>>)
      %dma_start3A_155 = arith.constant 0 : i32
      %dma_start3A_156 = arith.constant 0 : i32
      %dma_start3A_157 = arith.constant 768 : i32
      %dma_start3A_158 = arith.constant 0 : i32
      %dma_start3A_159 = tpu.memref_slice %arg2[%dma_start3A_156, %arg0, %dma_start3A_157, %dma_start3A_158] : memref<1x16x2048x2048xf32, #tpu.memory_space<any>> -> memref<1x1x128x2048xf32, #tpu.memory_space<any>>
      %dma_start3A_160 = tpu.memref_squeeze %dma_start3A_159 : memref<1x1x128x2048xf32, #tpu.memory_space<any>> -> memref<128x2048xf32, #tpu.memory_space<any>>
      %dma_start3A_161 = arith.constant 0 : i32
      %dma_start3A_162 = arith.constant 1280 : i32
      %dma_start3A_163 = tpu.memref_slice %arg3[%dma_start3A_155, %dma_start3A_161, %dma_start3A_162] : memref<2x128x4224xf32, #tpu.memory_space<vmem>> -> memref<1x128x2048xf32, #tpu.memory_space<vmem>>
      %dma_start3A_164 = tpu.memref_squeeze %dma_start3A_163 : memref<1x128x2048xf32, #tpu.memory_space<vmem>> -> memref<128x2048xf32, #tpu.memory_space<vmem>>
      tpu.enqueue_dma source(%dma_start3A_164 : memref<128x2048xf32, #tpu.memory_space<vmem>>) target(%dma_start3A_160 : memref<128x2048xf32, #tpu.memory_space<any>>) target_semaphore(%arg4 : memref<!tpu.dma_semaphore, #tpu.memory_space<semaphore_mem>>)
      %dma_start3A_165 = arith.constant 0 : i32
      %dma_start3A_166 = arith.constant 0 : i32
      %dma_start3A_167 = arith.constant 896 : i32
      %dma_start3A_168 = arith.constant 0 : i32
      %dma_start3A_169 = tpu.memref_slice %arg2[%dma_start3A_166, %arg0, %dma_start3A_167, %dma_start3A_168] : memref<1x16x2048x2048xf32, #tpu.memory_space<any>> -> memref<1x1x128x2048xf32, #tpu.memory_space<any>>
      %dma_start3A_170 = tpu.memref_squeeze %dma_start3A_169 : memref<1x1x128x2048xf32, #tpu.memory_space<any>> -> memref<128x2048xf32, #tpu.memory_space<any>>
      %dma_start3A_171 = arith.constant 0 : i32
      %dma_start3A_172 = arith.constant 1152 : i32
      %dma_start3A_173 = tpu.memref_slice %arg3[%dma_start3A_165, %dma_start3A_171, %dma_start3A_172] : memref<2x128x4224xf32, #tpu.memory_space<vmem>> -> memref<1x128x2048xf32, #tpu.memory_space<vmem>>
      %dma_start3A_174 = tpu.memref_squeeze %dma_start3A_173 : memref<1x128x2048xf32, #tpu.memory_space<vmem>> -> memref<128x2048xf32, #tpu.memory_space<vmem>>
      tpu.enqueue_dma source(%dma_start3A_174 : memref<128x2048xf32, #tpu.memory_space<vmem>>) target(%dma_start3A_170 : memref<128x2048xf32, #tpu.memory_space<any>>) target_semaphore(%arg4 : memref<!tpu.dma_semaphore, #tpu.memory_space<semaphore_mem>>)
      %dma_start3A_175 = arith.constant 0 : i32
      %dma_start3A_176 = arith.constant 0 : i32
      %dma_start3A_177 = arith.constant 1024 : i32
      %dma_start3A_178 = arith.constant 0 : i32
      %dma_start3A_179 = tpu.memref_slice %arg2[%dma_start3A_176, %arg0, %dma_start3A_177, %dma_start3A_178] : memref<1x16x2048x2048xf32, #tpu.memory_space<any>> -> memref<1x1x128x2048xf32, #tpu.memory_space<any>>
      %dma_start3A_180 = tpu.memref_squeeze %dma_start3A_179 : memref<1x1x128x2048xf32, #tpu.memory_space<any>> -> memref<128x2048xf32, #tpu.memory_space<any>>
      %dma_start3A_181 = arith.constant 0 : i32
      %dma_start3A_182 = arith.constant 1024 : i32
      %dma_start3A_183 = tpu.memref_slice %arg3[%dma_start3A_175, %dma_start3A_181, %dma_start3A_182] : memref<2x128x4224xf32, #tpu.memory_space<vmem>> -> memref<1x128x2048xf32, #tpu.memory_space<vmem>>
      %dma_start3A_184 = tpu.memref_squeeze %dma_start3A_183 : memref<1x128x2048xf32, #tpu.memory_space<vmem>> -> memref<128x2048xf32, #tpu.memory_space<vmem>>
      tpu.enqueue_dma source(%dma_start3A_184 : memref<128x2048xf32, #tpu.memory_space<vmem>>) target(%dma_start3A_180 : memref<128x2048xf32, #tpu.memory_space<any>>) target_semaphore(%arg4 : memref<!tpu.dma_semaphore, #tpu.memory_space<semaphore_mem>>)
      %dma_start3A_185 = arith.constant 0 : i32
      %dma_start3A_186 = arith.constant 0 : i32
      %dma_start3A_187 = arith.constant 1152 : i32
      %dma_start3A_188 = arith.constant 0 : i32
      %dma_start3A_189 = tpu.memref_slice %arg2[%dma_start3A_186, %arg0, %dma_start3A_187, %dma_start3A_188] : memref<1x16x2048x2048xf32, #tpu.memory_space<any>> -> memref<1x1x128x2048xf32, #tpu.memory_space<any>>
      %dma_start3A_190 = tpu.memref_squeeze %dma_start3A_189 : memref<1x1x128x2048xf32, #tpu.memory_space<any>> -> memref<128x2048xf32, #tpu.memory_space<any>>
      %dma_start3A_191 = arith.constant 0 : i32
      %dma_start3A_192 = arith.constant 896 : i32
      %dma_start3A_193 = tpu.memref_slice %arg3[%dma_start3A_185, %dma_start3A_191, %dma_start3A_192] : memref<2x128x4224xf32, #tpu.memory_space<vmem>> -> memref<1x128x2048xf32, #tpu.memory_space<vmem>>
      %dma_start3A_194 = tpu.memref_squeeze %dma_start3A_193 : memref<1x128x2048xf32, #tpu.memory_space<vmem>> -> memref<128x2048xf32, #tpu.memory_space<vmem>>
      tpu.enqueue_dma source(%dma_start3A_194 : memref<128x2048xf32, #tpu.memory_space<vmem>>) target(%dma_start3A_190 : memref<128x2048xf32, #tpu.memory_space<any>>) target_semaphore(%arg4 : memref<!tpu.dma_semaphore, #tpu.memory_space<semaphore_mem>>)
      %dma_start3A_195 = arith.constant 0 : i32
      %dma_start3A_196 = arith.constant 0 : i32
      %dma_start3A_197 = arith.constant 1280 : i32
      %dma_start3A_198 = arith.constant 0 : i32
      %dma_start3A_199 = tpu.memref_slice %arg2[%dma_start3A_196, %arg0, %dma_start3A_197, %dma_start3A_198] : memref<1x16x2048x2048xf32, #tpu.memory_space<any>> -> memref<1x1x128x2048xf32, #tpu.memory_space<any>>
      %dma_start3A_200 = tpu.memref_squeeze %dma_start3A_199 : memref<1x1x128x2048xf32, #tpu.memory_space<any>> -> memref<128x2048xf32, #tpu.memory_space<any>>
      %dma_start3A_201 = arith.constant 0 : i32
      %dma_start3A_202 = arith.constant 768 : i32
      %dma_start3A_203 = tpu.memref_slice %arg3[%dma_start3A_195, %dma_start3A_201, %dma_start3A_202] : memref<2x128x4224xf32, #tpu.memory_space<vmem>> -> memref<1x128x2048xf32, #tpu.memory_space<vmem>>
      %dma_start3A_204 = tpu.memref_squeeze %dma_start3A_203 : memref<1x128x2048xf32, #tpu.memory_space<vmem>> -> memref<128x2048xf32, #tpu.memory_space<vmem>>
      tpu.enqueue_dma source(%dma_start3A_204 : memref<128x2048xf32, #tpu.memory_space<vmem>>) target(%dma_start3A_200 : memref<128x2048xf32, #tpu.memory_space<any>>) target_semaphore(%arg4 : memref<!tpu.dma_semaphore, #tpu.memory_space<semaphore_mem>>)
      %dma_start3A_205 = arith.constant 0 : i32
      %dma_start3A_206 = arith.constant 0 : i32
      %dma_start3A_207 = arith.constant 1408 : i32
      %dma_start3A_208 = arith.constant 0 : i32
      %dma_start3A_209 = tpu.memref_slice %arg2[%dma_start3A_206, %arg0, %dma_start3A_207, %dma_start3A_208] : memref<1x16x2048x2048xf32, #tpu.memory_space<any>> -> memref<1x1x128x2048xf32, #tpu.memory_space<any>>
      %dma_start3A_210 = tpu.memref_squeeze %dma_start3A_209 : memref<1x1x128x2048xf32, #tpu.memory_space<any>> -> memref<128x2048xf32, #tpu.memory_space<any>>
      %dma_start3A_211 = arith.constant 0 : i32
      %dma_start3A_212 = arith.constant 640 : i32
      %dma_start3A_213 = tpu.memref_slice %arg3[%dma_start3A_205, %dma_start3A_211, %dma_start3A_212] : memref<2x128x4224xf32, #tpu.memory_space<vmem>> -> memref<1x128x2048xf32, #tpu.memory_space<vmem>>
      %dma_start3A_214 = tpu.memref_squeeze %dma_start3A_213 : memref<1x128x2048xf32, #tpu.memory_space<vmem>> -> memref<128x2048xf32, #tpu.memory_space<vmem>>
      tpu.enqueue_dma source(%dma_start3A_214 : memref<128x2048xf32, #tpu.memory_space<vmem>>) target(%dma_start3A_210 : memref<128x2048xf32, #tpu.memory_space<any>>) target_semaphore(%arg4 : memref<!tpu.dma_semaphore, #tpu.memory_space<semaphore_mem>>)
      %dma_start3A_215 = arith.constant 0 : i32
      %dma_start3A_216 = arith.constant 0 : i32
      %dma_start3A_217 = arith.constant 1536 : i32
      %dma_start3A_218 = arith.constant 0 : i32
      %dma_start3A_219 = tpu.memref_slice %arg2[%dma_start3A_216, %arg0, %dma_start3A_217, %dma_start3A_218] : memref<1x16x2048x2048xf32, #tpu.memory_space<any>> -> memref<1x1x128x2048xf32, #tpu.memory_space<any>>
      %dma_start3A_220 = tpu.memref_squeeze %dma_start3A_219 : memref<1x1x128x2048xf32, #tpu.memory_space<any>> -> memref<128x2048xf32, #tpu.memory_space<any>>
      %dma_start3A_221 = arith.constant 0 : i32
      %dma_start3A_222 = arith.constant 512 : i32
      %dma_start3A_223 = tpu.memref_slice %arg3[%dma_start3A_215, %dma_start3A_221, %dma_start3A_222] : memref<2x128x4224xf32, #tpu.memory_space<vmem>> -> memref<1x128x2048xf32, #tpu.memory_space<vmem>>
      %dma_start3A_224 = tpu.memref_squeeze %dma_start3A_223 : memref<1x128x2048xf32, #tpu.memory_space<vmem>> -> memref<128x2048xf32, #tpu.memory_space<vmem>>
      tpu.enqueue_dma source(%dma_start3A_224 : memref<128x2048xf32, #tpu.memory_space<vmem>>) target(%dma_start3A_220 : memref<128x2048xf32, #tpu.memory_space<any>>) target_semaphore(%arg4 : memref<!tpu.dma_semaphore, #tpu.memory_space<semaphore_mem>>)
      %dma_start3A_225 = arith.constant 0 : i32
      %dma_start3A_226 = arith.constant 0 : i32
      %dma_start3A_227 = arith.constant 1664 : i32
      %dma_start3A_228 = arith.constant 0 : i32
      %dma_start3A_229 = tpu.memref_slice %arg2[%dma_start3A_226, %arg0, %dma_start3A_227, %dma_start3A_228] : memref<1x16x2048x2048xf32, #tpu.memory_space<any>> -> memref<1x1x128x2048xf32, #tpu.memory_space<any>>
      %dma_start3A_230 = tpu.memref_squeeze %dma_start3A_229 : memref<1x1x128x2048xf32, #tpu.memory_space<any>> -> memref<128x2048xf32, #tpu.memory_space<any>>
      %dma_start3A_231 = arith.constant 0 : i32
      %dma_start3A_232 = arith.constant 384 : i32
      %dma_start3A_233 = tpu.memref_slice %arg3[%dma_start3A_225, %dma_start3A_231, %dma_start3A_232] : memref<2x128x4224xf32, #tpu.memory_space<vmem>> -> memref<1x128x2048xf32, #tpu.memory_space<vmem>>
      %dma_start3A_234 = tpu.memref_squeeze %dma_start3A_233 : memref<1x128x2048xf32, #tpu.memory_space<vmem>> -> memref<128x2048xf32, #tpu.memory_space<vmem>>
      tpu.enqueue_dma source(%dma_start3A_234 : memref<128x2048xf32, #tpu.memory_space<vmem>>) target(%dma_start3A_230 : memref<128x2048xf32, #tpu.memory_space<any>>) target_semaphore(%arg4 : memref<!tpu.dma_semaphore, #tpu.memory_space<semaphore_mem>>)
      %dma_start3A_235 = arith.constant 0 : i32
      %dma_start3A_236 = arith.constant 0 : i32
      %dma_start3A_237 = arith.constant 1792 : i32
      %dma_start3A_238 = arith.constant 0 : i32
      %dma_start3A_239 = tpu.memref_slice %arg2[%dma_start3A_236, %arg0, %dma_start3A_237, %dma_start3A_238] : memref<1x16x2048x2048xf32, #tpu.memory_space<any>> -> memref<1x1x128x2048xf32, #tpu.memory_space<any>>
      %dma_start3A_240 = tpu.memref_squeeze %dma_start3A_239 : memref<1x1x128x2048xf32, #tpu.memory_space<any>> -> memref<128x2048xf32, #tpu.memory_space<any>>
      %dma_start3A_241 = arith.constant 0 : i32
      %dma_start3A_242 = arith.constant 256 : i32
      %dma_start3A_243 = tpu.memref_slice %arg3[%dma_start3A_235, %dma_start3A_241, %dma_start3A_242] : memref<2x128x4224xf32, #tpu.memory_space<vmem>> -> memref<1x128x2048xf32, #tpu.memory_space<vmem>>
      %dma_start3A_244 = tpu.memref_squeeze %dma_start3A_243 : memref<1x128x2048xf32, #tpu.memory_space<vmem>> -> memref<128x2048xf32, #tpu.memory_space<vmem>>
      tpu.enqueue_dma source(%dma_start3A_244 : memref<128x2048xf32, #tpu.memory_space<vmem>>) target(%dma_start3A_240 : memref<128x2048xf32, #tpu.memory_space<any>>) target_semaphore(%arg4 : memref<!tpu.dma_semaphore, #tpu.memory_space<semaphore_mem>>)
      %dma_start3A_245 = arith.constant 0 : i32
      %dma_start3A_246 = arith.constant 0 : i32
      %dma_start3A_247 = arith.constant 1920 : i32
      %dma_start3A_248 = arith.constant 0 : i32
      %dma_start3A_249 = tpu.memref_slice %arg2[%dma_start3A_246, %arg0, %dma_start3A_247, %dma_start3A_248] : memref<1x16x2048x2048xf32, #tpu.memory_space<any>> -> memref<1x1x128x2048xf32, #tpu.memory_space<any>>
      %dma_start3A_250 = tpu.memref_squeeze %dma_start3A_249 : memref<1x1x128x2048xf32, #tpu.memory_space<any>> -> memref<128x2048xf32, #tpu.memory_space<any>>
      %dma_start3A_251 = arith.constant 0 : i32
      %dma_start3A_252 = arith.constant 128 : i32
      %dma_start3A_253 = tpu.memref_slice %arg3[%dma_start3A_245, %dma_start3A_251, %dma_start3A_252] : memref<2x128x4224xf32, #tpu.memory_space<vmem>> -> memref<1x128x2048xf32, #tpu.memory_space<vmem>>
      %dma_start3A_254 = tpu.memref_squeeze %dma_start3A_253 : memref<1x128x2048xf32, #tpu.memory_space<vmem>> -> memref<128x2048xf32, #tpu.memory_space<vmem>>
      tpu.enqueue_dma source(%dma_start3A_254 : memref<128x2048xf32, #tpu.memory_space<vmem>>) target(%dma_start3A_250 : memref<128x2048xf32, #tpu.memory_space<any>>) target_semaphore(%arg4 : memref<!tpu.dma_semaphore, #tpu.memory_space<semaphore_mem>>)
    } else {
    }
    %not3A = arith.constant true
    %not3A_11 = arith.xori %eq3A_9, %not3A : i1
    %convert_element_type3A_12 = arith.extui %not3A_11 : i1 to i32
    %cond3A_13 = arith.constant 0 : i32
    %cond3A_14 = arith.cmpi ne, %convert_element_type3A_12, %cond3A_13 : i32
    scf.if %cond3A_14 {
      %ge3A = arith.constant 2 : i32
      %ge3A_20 = arith.cmpi sge, %arg0, %ge3A : i32
      %convert_element_type3A_21 = arith.extui %ge3A_20 : i1 to i32
      %cond3A_22 = arith.constant 0 : i32
      %cond3A_23 = arith.cmpi ne, %convert_element_type3A_21, %cond3A_22 : i32
      scf.if %cond3A_23 {
        %sub3A = arith.constant 2 : i32
        %sub3A_255 = arith.subi %arg0, %sub3A : i32
        %dma_wait3A = arith.constant 1 : i32
        %dma_wait3A_256 = arith.constant 0 : i32
        %dma_wait3A_257 = arith.constant 0 : i32
        %dma_wait3A_258 = arith.constant 0 : i32
        %dma_wait3A_259 = tpu.memref_slice %arg2[%dma_wait3A_256, %sub3A_255, %dma_wait3A_257, %dma_wait3A_258] : memref<1x16x2048x2048xf32, #tpu.memory_space<any>> -> memref<1x1x128x2048xf32, #tpu.memory_space<any>>
        %dma_wait3A_260 = tpu.memref_squeeze %dma_wait3A_259 : memref<1x1x128x2048xf32, #tpu.memory_space<any>> -> memref<128x2048xf32, #tpu.memory_space<any>>
        %dma_wait3A_261 = arith.constant 0 : i32
        %dma_wait3A_262 = arith.constant 2048 : i32
        %dma_wait3A_263 = tpu.memref_slice %arg3[%dma_wait3A, %dma_wait3A_261, %dma_wait3A_262] : memref<2x128x4224xf32, #tpu.memory_space<vmem>> -> memref<1x128x2048xf32, #tpu.memory_space<vmem>>
        %dma_wait3A_264 = tpu.memref_squeeze %dma_wait3A_263 : memref<1x128x2048xf32, #tpu.memory_space<vmem>> -> memref<128x2048xf32, #tpu.memory_space<vmem>>
        tpu.wait_dma2 semaphore(%arg5 : memref<!tpu.dma_semaphore, #tpu.memory_space<semaphore_mem>>) src(%dma_wait3A_264 : memref<128x2048xf32, #tpu.memory_space<vmem>>) dst(%dma_wait3A_260 : memref<128x2048xf32, #tpu.memory_space<any>>)
        %dma_wait3A_265 = arith.constant 1 : i32
        %dma_wait3A_266 = arith.constant 0 : i32
        %dma_wait3A_267 = arith.constant 128 : i32
        %dma_wait3A_268 = arith.constant 0 : i32
        %dma_wait3A_269 = tpu.memref_slice %arg2[%dma_wait3A_266, %sub3A_255, %dma_wait3A_267, %dma_wait3A_268] : memref<1x16x2048x2048xf32, #tpu.memory_space<any>> -> memref<1x1x128x2048xf32, #tpu.memory_space<any>>
        %dma_wait3A_270 = tpu.memref_squeeze %dma_wait3A_269 : memref<1x1x128x2048xf32, #tpu.memory_space<any>> -> memref<128x2048xf32, #tpu.memory_space<any>>
        %dma_wait3A_271 = arith.constant 0 : i32
        %dma_wait3A_272 = arith.constant 1920 : i32
        %dma_wait3A_273 = tpu.memref_slice %arg3[%dma_wait3A_265, %dma_wait3A_271, %dma_wait3A_272] : memref<2x128x4224xf32, #tpu.memory_space<vmem>> -> memref<1x128x2048xf32, #tpu.memory_space<vmem>>
        %dma_wait3A_274 = tpu.memref_squeeze %dma_wait3A_273 : memref<1x128x2048xf32, #tpu.memory_space<vmem>> -> memref<128x2048xf32, #tpu.memory_space<vmem>>
        tpu.wait_dma2 semaphore(%arg5 : memref<!tpu.dma_semaphore, #tpu.memory_space<semaphore_mem>>) src(%dma_wait3A_274 : memref<128x2048xf32, #tpu.memory_space<vmem>>) dst(%dma_wait3A_270 : memref<128x2048xf32, #tpu.memory_space<any>>)
        %dma_wait3A_275 = arith.constant 1 : i32
        %dma_wait3A_276 = arith.constant 0 : i32
        %dma_wait3A_277 = arith.constant 256 : i32
        %dma_wait3A_278 = arith.constant 0 : i32
        %dma_wait3A_279 = tpu.memref_slice %arg2[%dma_wait3A_276, %sub3A_255, %dma_wait3A_277, %dma_wait3A_278] : memref<1x16x2048x2048xf32, #tpu.memory_space<any>> -> memref<1x1x128x2048xf32, #tpu.memory_space<any>>
        %dma_wait3A_280 = tpu.memref_squeeze %dma_wait3A_279 : memref<1x1x128x2048xf32, #tpu.memory_space<any>> -> memref<128x2048xf32, #tpu.memory_space<any>>
        %dma_wait3A_281 = arith.constant 0 : i32
        %dma_wait3A_282 = arith.constant 1792 : i32
        %dma_wait3A_283 = tpu.memref_slice %arg3[%dma_wait3A_275, %dma_wait3A_281, %dma_wait3A_282] : memref<2x128x4224xf32, #tpu.memory_space<vmem>> -> memref<1x128x2048xf32, #tpu.memory_space<vmem>>
        %dma_wait3A_284 = tpu.memref_squeeze %dma_wait3A_283 : memref<1x128x2048xf32, #tpu.memory_space<vmem>> -> memref<128x2048xf32, #tpu.memory_space<vmem>>
        tpu.wait_dma2 semaphore(%arg5 : memref<!tpu.dma_semaphore, #tpu.memory_space<semaphore_mem>>) src(%dma_wait3A_284 : memref<128x2048xf32, #tpu.memory_space<vmem>>) dst(%dma_wait3A_280 : memref<128x2048xf32, #tpu.memory_space<any>>)
        %dma_wait3A_285 = arith.constant 1 : i32
        %dma_wait3A_286 = arith.constant 0 : i32
        %dma_wait3A_287 = arith.constant 384 : i32
        %dma_wait3A_288 = arith.constant 0 : i32
        %dma_wait3A_289 = tpu.memref_slice %arg2[%dma_wait3A_286, %sub3A_255, %dma_wait3A_287, %dma_wait3A_288] : memref<1x16x2048x2048xf32, #tpu.memory_space<any>> -> memref<1x1x128x2048xf32, #tpu.memory_space<any>>
        %dma_wait3A_290 = tpu.memref_squeeze %dma_wait3A_289 : memref<1x1x128x2048xf32, #tpu.memory_space<any>> -> memref<128x2048xf32, #tpu.memory_space<any>>
        %dma_wait3A_291 = arith.constant 0 : i32
        %dma_wait3A_292 = arith.constant 1664 : i32
        %dma_wait3A_293 = tpu.memref_slice %arg3[%dma_wait3A_285, %dma_wait3A_291, %dma_wait3A_292] : memref<2x128x4224xf32, #tpu.memory_space<vmem>> -> memref<1x128x2048xf32, #tpu.memory_space<vmem>>
        %dma_wait3A_294 = tpu.memref_squeeze %dma_wait3A_293 : memref<1x128x2048xf32, #tpu.memory_space<vmem>> -> memref<128x2048xf32, #tpu.memory_space<vmem>>
        tpu.wait_dma2 semaphore(%arg5 : memref<!tpu.dma_semaphore, #tpu.memory_space<semaphore_mem>>) src(%dma_wait3A_294 : memref<128x2048xf32, #tpu.memory_space<vmem>>) dst(%dma_wait3A_290 : memref<128x2048xf32, #tpu.memory_space<any>>)
        %dma_wait3A_295 = arith.constant 1 : i32
        %dma_wait3A_296 = arith.constant 0 : i32
        %dma_wait3A_297 = arith.constant 512 : i32
        %dma_wait3A_298 = arith.constant 0 : i32
        %dma_wait3A_299 = tpu.memref_slice %arg2[%dma_wait3A_296, %sub3A_255, %dma_wait3A_297, %dma_wait3A_298] : memref<1x16x2048x2048xf32, #tpu.memory_space<any>> -> memref<1x1x128x2048xf32, #tpu.memory_space<any>>
        %dma_wait3A_300 = tpu.memref_squeeze %dma_wait3A_299 : memref<1x1x128x2048xf32, #tpu.memory_space<any>> -> memref<128x2048xf32, #tpu.memory_space<any>>
        %dma_wait3A_301 = arith.constant 0 : i32
        %dma_wait3A_302 = arith.constant 1536 : i32
        %dma_wait3A_303 = tpu.memref_slice %arg3[%dma_wait3A_295, %dma_wait3A_301, %dma_wait3A_302] : memref<2x128x4224xf32, #tpu.memory_space<vmem>> -> memref<1x128x2048xf32, #tpu.memory_space<vmem>>
        %dma_wait3A_304 = tpu.memref_squeeze %dma_wait3A_303 : memref<1x128x2048xf32, #tpu.memory_space<vmem>> -> memref<128x2048xf32, #tpu.memory_space<vmem>>
        tpu.wait_dma2 semaphore(%arg5 : memref<!tpu.dma_semaphore, #tpu.memory_space<semaphore_mem>>) src(%dma_wait3A_304 : memref<128x2048xf32, #tpu.memory_space<vmem>>) dst(%dma_wait3A_300 : memref<128x2048xf32, #tpu.memory_space<any>>)
        %dma_wait3A_305 = arith.constant 1 : i32
        %dma_wait3A_306 = arith.constant 0 : i32
        %dma_wait3A_307 = arith.constant 640 : i32
        %dma_wait3A_308 = arith.constant 0 : i32
        %dma_wait3A_309 = tpu.memref_slice %arg2[%dma_wait3A_306, %sub3A_255, %dma_wait3A_307, %dma_wait3A_308] : memref<1x16x2048x2048xf32, #tpu.memory_space<any>> -> memref<1x1x128x2048xf32, #tpu.memory_space<any>>
        %dma_wait3A_310 = tpu.memref_squeeze %dma_wait3A_309 : memref<1x1x128x2048xf32, #tpu.memory_space<any>> -> memref<128x2048xf32, #tpu.memory_space<any>>
        %dma_wait3A_311 = arith.constant 0 : i32
        %dma_wait3A_312 = arith.constant 1408 : i32
        %dma_wait3A_313 = tpu.memref_slice %arg3[%dma_wait3A_305, %dma_wait3A_311, %dma_wait3A_312] : memref<2x128x4224xf32, #tpu.memory_space<vmem>> -> memref<1x128x2048xf32, #tpu.memory_space<vmem>>
        %dma_wait3A_314 = tpu.memref_squeeze %dma_wait3A_313 : memref<1x128x2048xf32, #tpu.memory_space<vmem>> -> memref<128x2048xf32, #tpu.memory_space<vmem>>
        tpu.wait_dma2 semaphore(%arg5 : memref<!tpu.dma_semaphore, #tpu.memory_space<semaphore_mem>>) src(%dma_wait3A_314 : memref<128x2048xf32, #tpu.memory_space<vmem>>) dst(%dma_wait3A_310 : memref<128x2048xf32, #tpu.memory_space<any>>)
        %dma_wait3A_315 = arith.constant 1 : i32
        %dma_wait3A_316 = arith.constant 0 : i32
        %dma_wait3A_317 = arith.constant 768 : i32
        %dma_wait3A_318 = arith.constant 0 : i32
        %dma_wait3A_319 = tpu.memref_slice %arg2[%dma_wait3A_316, %sub3A_255, %dma_wait3A_317, %dma_wait3A_318] : memref<1x16x2048x2048xf32, #tpu.memory_space<any>> -> memref<1x1x128x2048xf32, #tpu.memory_space<any>>
        %dma_wait3A_320 = tpu.memref_squeeze %dma_wait3A_319 : memref<1x1x128x2048xf32, #tpu.memory_space<any>> -> memref<128x2048xf32, #tpu.memory_space<any>>
        %dma_wait3A_321 = arith.constant 0 : i32
        %dma_wait3A_322 = arith.constant 1280 : i32
        %dma_wait3A_323 = tpu.memref_slice %arg3[%dma_wait3A_315, %dma_wait3A_321, %dma_wait3A_322] : memref<2x128x4224xf32, #tpu.memory_space<vmem>> -> memref<1x128x2048xf32, #tpu.memory_space<vmem>>
        %dma_wait3A_324 = tpu.memref_squeeze %dma_wait3A_323 : memref<1x128x2048xf32, #tpu.memory_space<vmem>> -> memref<128x2048xf32, #tpu.memory_space<vmem>>
        tpu.wait_dma2 semaphore(%arg5 : memref<!tpu.dma_semaphore, #tpu.memory_space<semaphore_mem>>) src(%dma_wait3A_324 : memref<128x2048xf32, #tpu.memory_space<vmem>>) dst(%dma_wait3A_320 : memref<128x2048xf32, #tpu.memory_space<any>>)
        %dma_wait3A_325 = arith.constant 1 : i32
        %dma_wait3A_326 = arith.constant 0 : i32
        %dma_wait3A_327 = arith.constant 896 : i32
        %dma_wait3A_328 = arith.constant 0 : i32
        %dma_wait3A_329 = tpu.memref_slice %arg2[%dma_wait3A_326, %sub3A_255, %dma_wait3A_327, %dma_wait3A_328] : memref<1x16x2048x2048xf32, #tpu.memory_space<any>> -> memref<1x1x128x2048xf32, #tpu.memory_space<any>>
        %dma_wait3A_330 = tpu.memref_squeeze %dma_wait3A_329 : memref<1x1x128x2048xf32, #tpu.memory_space<any>> -> memref<128x2048xf32, #tpu.memory_space<any>>
        %dma_wait3A_331 = arith.constant 0 : i32
        %dma_wait3A_332 = arith.constant 1152 : i32
        %dma_wait3A_333 = tpu.memref_slice %arg3[%dma_wait3A_325, %dma_wait3A_331, %dma_wait3A_332] : memref<2x128x4224xf32, #tpu.memory_space<vmem>> -> memref<1x128x2048xf32, #tpu.memory_space<vmem>>
        %dma_wait3A_334 = tpu.memref_squeeze %dma_wait3A_333 : memref<1x128x2048xf32, #tpu.memory_space<vmem>> -> memref<128x2048xf32, #tpu.memory_space<vmem>>
        tpu.wait_dma2 semaphore(%arg5 : memref<!tpu.dma_semaphore, #tpu.memory_space<semaphore_mem>>) src(%dma_wait3A_334 : memref<128x2048xf32, #tpu.memory_space<vmem>>) dst(%dma_wait3A_330 : memref<128x2048xf32, #tpu.memory_space<any>>)
        %dma_wait3A_335 = arith.constant 1 : i32
        %dma_wait3A_336 = arith.constant 0 : i32
        %dma_wait3A_337 = arith.constant 1024 : i32
        %dma_wait3A_338 = arith.constant 0 : i32
        %dma_wait3A_339 = tpu.memref_slice %arg2[%dma_wait3A_336, %sub3A_255, %dma_wait3A_337, %dma_wait3A_338] : memref<1x16x2048x2048xf32, #tpu.memory_space<any>> -> memref<1x1x128x2048xf32, #tpu.memory_space<any>>
        %dma_wait3A_340 = tpu.memref_squeeze %dma_wait3A_339 : memref<1x1x128x2048xf32, #tpu.memory_space<any>> -> memref<128x2048xf32, #tpu.memory_space<any>>
        %dma_wait3A_341 = arith.constant 0 : i32
        %dma_wait3A_342 = arith.constant 1024 : i32
        %dma_wait3A_343 = tpu.memref_slice %arg3[%dma_wait3A_335, %dma_wait3A_341, %dma_wait3A_342] : memref<2x128x4224xf32, #tpu.memory_space<vmem>> -> memref<1x128x2048xf32, #tpu.memory_space<vmem>>
        %dma_wait3A_344 = tpu.memref_squeeze %dma_wait3A_343 : memref<1x128x2048xf32, #tpu.memory_space<vmem>> -> memref<128x2048xf32, #tpu.memory_space<vmem>>
        tpu.wait_dma2 semaphore(%arg5 : memref<!tpu.dma_semaphore, #tpu.memory_space<semaphore_mem>>) src(%dma_wait3A_344 : memref<128x2048xf32, #tpu.memory_space<vmem>>) dst(%dma_wait3A_340 : memref<128x2048xf32, #tpu.memory_space<any>>)
        %dma_wait3A_345 = arith.constant 1 : i32
        %dma_wait3A_346 = arith.constant 0 : i32
        %dma_wait3A_347 = arith.constant 1152 : i32
        %dma_wait3A_348 = arith.constant 0 : i32
        %dma_wait3A_349 = tpu.memref_slice %arg2[%dma_wait3A_346, %sub3A_255, %dma_wait3A_347, %dma_wait3A_348] : memref<1x16x2048x2048xf32, #tpu.memory_space<any>> -> memref<1x1x128x2048xf32, #tpu.memory_space<any>>
        %dma_wait3A_350 = tpu.memref_squeeze %dma_wait3A_349 : memref<1x1x128x2048xf32, #tpu.memory_space<any>> -> memref<128x2048xf32, #tpu.memory_space<any>>
        %dma_wait3A_351 = arith.constant 0 : i32
        %dma_wait3A_352 = arith.constant 896 : i32
        %dma_wait3A_353 = tpu.memref_slice %arg3[%dma_wait3A_345, %dma_wait3A_351, %dma_wait3A_352] : memref<2x128x4224xf32, #tpu.memory_space<vmem>> -> memref<1x128x2048xf32, #tpu.memory_space<vmem>>
        %dma_wait3A_354 = tpu.memref_squeeze %dma_wait3A_353 : memref<1x128x2048xf32, #tpu.memory_space<vmem>> -> memref<128x2048xf32, #tpu.memory_space<vmem>>
        tpu.wait_dma2 semaphore(%arg5 : memref<!tpu.dma_semaphore, #tpu.memory_space<semaphore_mem>>) src(%dma_wait3A_354 : memref<128x2048xf32, #tpu.memory_space<vmem>>) dst(%dma_wait3A_350 : memref<128x2048xf32, #tpu.memory_space<any>>)
        %dma_wait3A_355 = arith.constant 1 : i32
        %dma_wait3A_356 = arith.constant 0 : i32
        %dma_wait3A_357 = arith.constant 1280 : i32
        %dma_wait3A_358 = arith.constant 0 : i32
        %dma_wait3A_359 = tpu.memref_slice %arg2[%dma_wait3A_356, %sub3A_255, %dma_wait3A_357, %dma_wait3A_358] : memref<1x16x2048x2048xf32, #tpu.memory_space<any>> -> memref<1x1x128x2048xf32, #tpu.memory_space<any>>
        %dma_wait3A_360 = tpu.memref_squeeze %dma_wait3A_359 : memref<1x1x128x2048xf32, #tpu.memory_space<any>> -> memref<128x2048xf32, #tpu.memory_space<any>>
        %dma_wait3A_361 = arith.constant 0 : i32
        %dma_wait3A_362 = arith.constant 768 : i32
        %dma_wait3A_363 = tpu.memref_slice %arg3[%dma_wait3A_355, %dma_wait3A_361, %dma_wait3A_362] : memref<2x128x4224xf32, #tpu.memory_space<vmem>> -> memref<1x128x2048xf32, #tpu.memory_space<vmem>>
        %dma_wait3A_364 = tpu.memref_squeeze %dma_wait3A_363 : memref<1x128x2048xf32, #tpu.memory_space<vmem>> -> memref<128x2048xf32, #tpu.memory_space<vmem>>
        tpu.wait_dma2 semaphore(%arg5 : memref<!tpu.dma_semaphore, #tpu.memory_space<semaphore_mem>>) src(%dma_wait3A_364 : memref<128x2048xf32, #tpu.memory_space<vmem>>) dst(%dma_wait3A_360 : memref<128x2048xf32, #tpu.memory_space<any>>)
        %dma_wait3A_365 = arith.constant 1 : i32
        %dma_wait3A_366 = arith.constant 0 : i32
        %dma_wait3A_367 = arith.constant 1408 : i32
        %dma_wait3A_368 = arith.constant 0 : i32
        %dma_wait3A_369 = tpu.memref_slice %arg2[%dma_wait3A_366, %sub3A_255, %dma_wait3A_367, %dma_wait3A_368] : memref<1x16x2048x2048xf32, #tpu.memory_space<any>> -> memref<1x1x128x2048xf32, #tpu.memory_space<any>>
        %dma_wait3A_370 = tpu.memref_squeeze %dma_wait3A_369 : memref<1x1x128x2048xf32, #tpu.memory_space<any>> -> memref<128x2048xf32, #tpu.memory_space<any>>
        %dma_wait3A_371 = arith.constant 0 : i32
        %dma_wait3A_372 = arith.constant 640 : i32
        %dma_wait3A_373 = tpu.memref_slice %arg3[%dma_wait3A_365, %dma_wait3A_371, %dma_wait3A_372] : memref<2x128x4224xf32, #tpu.memory_space<vmem>> -> memref<1x128x2048xf32, #tpu.memory_space<vmem>>
        %dma_wait3A_374 = tpu.memref_squeeze %dma_wait3A_373 : memref<1x128x2048xf32, #tpu.memory_space<vmem>> -> memref<128x2048xf32, #tpu.memory_space<vmem>>
        tpu.wait_dma2 semaphore(%arg5 : memref<!tpu.dma_semaphore, #tpu.memory_space<semaphore_mem>>) src(%dma_wait3A_374 : memref<128x2048xf32, #tpu.memory_space<vmem>>) dst(%dma_wait3A_370 : memref<128x2048xf32, #tpu.memory_space<any>>)
        %dma_wait3A_375 = arith.constant 1 : i32
        %dma_wait3A_376 = arith.constant 0 : i32
        %dma_wait3A_377 = arith.constant 1536 : i32
        %dma_wait3A_378 = arith.constant 0 : i32
        %dma_wait3A_379 = tpu.memref_slice %arg2[%dma_wait3A_376, %sub3A_255, %dma_wait3A_377, %dma_wait3A_378] : memref<1x16x2048x2048xf32, #tpu.memory_space<any>> -> memref<1x1x128x2048xf32, #tpu.memory_space<any>>
        %dma_wait3A_380 = tpu.memref_squeeze %dma_wait3A_379 : memref<1x1x128x2048xf32, #tpu.memory_space<any>> -> memref<128x2048xf32, #tpu.memory_space<any>>
        %dma_wait3A_381 = arith.constant 0 : i32
        %dma_wait3A_382 = arith.constant 512 : i32
        %dma_wait3A_383 = tpu.memref_slice %arg3[%dma_wait3A_375, %dma_wait3A_381, %dma_wait3A_382] : memref<2x128x4224xf32, #tpu.memory_space<vmem>> -> memref<1x128x2048xf32, #tpu.memory_space<vmem>>
        %dma_wait3A_384 = tpu.memref_squeeze %dma_wait3A_383 : memref<1x128x2048xf32, #tpu.memory_space<vmem>> -> memref<128x2048xf32, #tpu.memory_space<vmem>>
        tpu.wait_dma2 semaphore(%arg5 : memref<!tpu.dma_semaphore, #tpu.memory_space<semaphore_mem>>) src(%dma_wait3A_384 : memref<128x2048xf32, #tpu.memory_space<vmem>>) dst(%dma_wait3A_380 : memref<128x2048xf32, #tpu.memory_space<any>>)
        %dma_wait3A_385 = arith.constant 1 : i32
        %dma_wait3A_386 = arith.constant 0 : i32
        %dma_wait3A_387 = arith.constant 1664 : i32
        %dma_wait3A_388 = arith.constant 0 : i32
        %dma_wait3A_389 = tpu.memref_slice %arg2[%dma_wait3A_386, %sub3A_255, %dma_wait3A_387, %dma_wait3A_388] : memref<1x16x2048x2048xf32, #tpu.memory_space<any>> -> memref<1x1x128x2048xf32, #tpu.memory_space<any>>
        %dma_wait3A_390 = tpu.memref_squeeze %dma_wait3A_389 : memref<1x1x128x2048xf32, #tpu.memory_space<any>> -> memref<128x2048xf32, #tpu.memory_space<any>>
        %dma_wait3A_391 = arith.constant 0 : i32
        %dma_wait3A_392 = arith.constant 384 : i32
        %dma_wait3A_393 = tpu.memref_slice %arg3[%dma_wait3A_385, %dma_wait3A_391, %dma_wait3A_392] : memref<2x128x4224xf32, #tpu.memory_space<vmem>> -> memref<1x128x2048xf32, #tpu.memory_space<vmem>>
        %dma_wait3A_394 = tpu.memref_squeeze %dma_wait3A_393 : memref<1x128x2048xf32, #tpu.memory_space<vmem>> -> memref<128x2048xf32, #tpu.memory_space<vmem>>
        tpu.wait_dma2 semaphore(%arg5 : memref<!tpu.dma_semaphore, #tpu.memory_space<semaphore_mem>>) src(%dma_wait3A_394 : memref<128x2048xf32, #tpu.memory_space<vmem>>) dst(%dma_wait3A_390 : memref<128x2048xf32, #tpu.memory_space<any>>)
        %dma_wait3A_395 = arith.constant 1 : i32
        %dma_wait3A_396 = arith.constant 0 : i32
        %dma_wait3A_397 = arith.constant 1792 : i32
        %dma_wait3A_398 = arith.constant 0 : i32
        %dma_wait3A_399 = tpu.memref_slice %arg2[%dma_wait3A_396, %sub3A_255, %dma_wait3A_397, %dma_wait3A_398] : memref<1x16x2048x2048xf32, #tpu.memory_space<any>> -> memref<1x1x128x2048xf32, #tpu.memory_space<any>>
        %dma_wait3A_400 = tpu.memref_squeeze %dma_wait3A_399 : memref<1x1x128x2048xf32, #tpu.memory_space<any>> -> memref<128x2048xf32, #tpu.memory_space<any>>
        %dma_wait3A_401 = arith.constant 0 : i32
        %dma_wait3A_402 = arith.constant 256 : i32
        %dma_wait3A_403 = tpu.memref_slice %arg3[%dma_wait3A_395, %dma_wait3A_401, %dma_wait3A_402] : memref<2x128x4224xf32, #tpu.memory_space<vmem>> -> memref<1x128x2048xf32, #tpu.memory_space<vmem>>
        %dma_wait3A_404 = tpu.memref_squeeze %dma_wait3A_403 : memref<1x128x2048xf32, #tpu.memory_space<vmem>> -> memref<128x2048xf32, #tpu.memory_space<vmem>>
        tpu.wait_dma2 semaphore(%arg5 : memref<!tpu.dma_semaphore, #tpu.memory_space<semaphore_mem>>) src(%dma_wait3A_404 : memref<128x2048xf32, #tpu.memory_space<vmem>>) dst(%dma_wait3A_400 : memref<128x2048xf32, #tpu.memory_space<any>>)
        %dma_wait3A_405 = arith.constant 1 : i32
        %dma_wait3A_406 = arith.constant 0 : i32
        %dma_wait3A_407 = arith.constant 1920 : i32
        %dma_wait3A_408 = arith.constant 0 : i32
        %dma_wait3A_409 = tpu.memref_slice %arg2[%dma_wait3A_406, %sub3A_255, %dma_wait3A_407, %dma_wait3A_408] : memref<1x16x2048x2048xf32, #tpu.memory_space<any>> -> memref<1x1x128x2048xf32, #tpu.memory_space<any>>
        %dma_wait3A_410 = tpu.memref_squeeze %dma_wait3A_409 : memref<1x1x128x2048xf32, #tpu.memory_space<any>> -> memref<128x2048xf32, #tpu.memory_space<any>>
        %dma_wait3A_411 = arith.constant 0 : i32
        %dma_wait3A_412 = arith.constant 128 : i32
        %dma_wait3A_413 = tpu.memref_slice %arg3[%dma_wait3A_405, %dma_wait3A_411, %dma_wait3A_412] : memref<2x128x4224xf32, #tpu.memory_space<vmem>> -> memref<1x128x2048xf32, #tpu.memory_space<vmem>>
        %dma_wait3A_414 = tpu.memref_squeeze %dma_wait3A_413 : memref<1x128x2048xf32, #tpu.memory_space<vmem>> -> memref<128x2048xf32, #tpu.memory_space<vmem>>
        tpu.wait_dma2 semaphore(%arg5 : memref<!tpu.dma_semaphore, #tpu.memory_space<semaphore_mem>>) src(%dma_wait3A_414 : memref<128x2048xf32, #tpu.memory_space<vmem>>) dst(%dma_wait3A_410 : memref<128x2048xf32, #tpu.memory_space<any>>)
      } else {
      }
      %get3A = arith.constant 0 : index
      %get3A_24 = arith.constant 0 : index
      %get3A_25 = arith.constant 0 : index
      %get3A_26 = vector.load %arg1[%get3A, %get3A_24, %get3A_25] : memref<1x1x4224xf32, #tpu.memory_space<vmem>>, vector<1x1x4224xf32>
      %get3A_27 = vector.shape_cast %get3A_26 : vector<1x1x4224xf32> to vector<1x4224xf32>
      %broadcast_in_dim3A = vector.shape_cast %get3A_27 : vector<1x4224xf32> to vector<1x4224xf32>
      %broadcast_in_dim3A_28 = vector.broadcast %broadcast_in_dim3A : vector<1x4224xf32> to vector<128x4224xf32>
      %iota3A = tpu.iota {dimensions = array<i32: 0>} : vector<128x4224xi32>
      %and3A_29 = arith.constant 1 : i32
      %and3A_30 = vector.broadcast %and3A_29 : i32 to vector<128x4224xi32>
      %and3A_31 = arith.andi %iota3A, %and3A_30 : vector<128x4224xi32>
      %ne3A_32 = arith.constant 0 : i32
      %ne3A_33 = vector.broadcast %ne3A_32 : i32 to vector<128x4224xi32>
      %ne3A_34 = arith.cmpi ne, %and3A_31, %ne3A_33 : vector<128x4224xi32>
      %roll3A = arith.constant 1 : i32
      %roll3A_35 = tpu.dynamic_rotate %broadcast_in_dim3A_28 by %roll3A dim 1 : vector<128x4224xf32>, i32 -> vector<128x4224xf32>
      %select_n3A_36 = arith.select %ne3A_34, %roll3A_35, %broadcast_in_dim3A_28 : vector<128x4224xi1>, vector<128x4224xf32>
      %and3A_37 = arith.constant 2 : i32
      %and3A_38 = vector.broadcast %and3A_37 : i32 to vector<128x4224xi32>
      %and3A_39 = arith.andi %iota3A, %and3A_38 : vector<128x4224xi32>
      %ne3A_40 = arith.constant 0 : i32
      %ne3A_41 = vector.broadcast %ne3A_40 : i32 to vector<128x4224xi32>
      %ne3A_42 = arith.cmpi ne, %and3A_39, %ne3A_41 : vector<128x4224xi32>
      %roll3A_43 = arith.constant 2 : i32
      %roll3A_44 = tpu.dynamic_rotate %select_n3A_36 by %roll3A_43 dim 1 : vector<128x4224xf32>, i32 -> vector<128x4224xf32>
      %select_n3A_45 = arith.select %ne3A_42, %roll3A_44, %select_n3A_36 : vector<128x4224xi1>, vector<128x4224xf32>
      %and3A_46 = arith.constant 4 : i32
      %and3A_47 = vector.broadcast %and3A_46 : i32 to vector<128x4224xi32>
      %and3A_48 = arith.andi %iota3A, %and3A_47 : vector<128x4224xi32>
      %ne3A_49 = arith.constant 0 : i32
      %ne3A_50 = vector.broadcast %ne3A_49 : i32 to vector<128x4224xi32>
      %ne3A_51 = arith.cmpi ne, %and3A_48, %ne3A_50 : vector<128x4224xi32>
      %roll3A_52 = arith.constant 4 : i32
      %roll3A_53 = tpu.dynamic_rotate %select_n3A_45 by %roll3A_52 dim 1 : vector<128x4224xf32>, i32 -> vector<128x4224xf32>
      %select_n3A_54 = arith.select %ne3A_51, %roll3A_53, %select_n3A_45 : vector<128x4224xi1>, vector<128x4224xf32>
      %and3A_55 = arith.constant 8 : i32
      %and3A_56 = vector.broadcast %and3A_55 : i32 to vector<128x4224xi32>
      %and3A_57 = arith.andi %iota3A, %and3A_56 : vector<128x4224xi32>
      %ne3A_58 = arith.constant 0 : i32
      %ne3A_59 = vector.broadcast %ne3A_58 : i32 to vector<128x4224xi32>
      %ne3A_60 = arith.cmpi ne, %and3A_57, %ne3A_59 : vector<128x4224xi32>
      %roll3A_61 = arith.constant 8 : i32
      %roll3A_62 = tpu.dynamic_rotate %select_n3A_54 by %roll3A_61 dim 1 : vector<128x4224xf32>, i32 -> vector<128x4224xf32>
      %select_n3A_63 = arith.select %ne3A_60, %roll3A_62, %select_n3A_54 : vector<128x4224xi1>, vector<128x4224xf32>
      %and3A_64 = arith.constant 16 : i32
      %and3A_65 = vector.broadcast %and3A_64 : i32 to vector<128x4224xi32>
      %and3A_66 = arith.andi %iota3A, %and3A_65 : vector<128x4224xi32>
      %ne3A_67 = arith.constant 0 : i32
      %ne3A_68 = vector.broadcast %ne3A_67 : i32 to vector<128x4224xi32>
      %ne3A_69 = arith.cmpi ne, %and3A_66, %ne3A_68 : vector<128x4224xi32>
      %roll3A_70 = arith.constant 16 : i32
      %roll3A_71 = tpu.dynamic_rotate %select_n3A_63 by %roll3A_70 dim 1 : vector<128x4224xf32>, i32 -> vector<128x4224xf32>
      %select_n3A_72 = arith.select %ne3A_69, %roll3A_71, %select_n3A_63 : vector<128x4224xi1>, vector<128x4224xf32>
      %and3A_73 = arith.constant 32 : i32
      %and3A_74 = vector.broadcast %and3A_73 : i32 to vector<128x4224xi32>
      %and3A_75 = arith.andi %iota3A, %and3A_74 : vector<128x4224xi32>
      %ne3A_76 = arith.constant 0 : i32
      %ne3A_77 = vector.broadcast %ne3A_76 : i32 to vector<128x4224xi32>
      %ne3A_78 = arith.cmpi ne, %and3A_75, %ne3A_77 : vector<128x4224xi32>
      %roll3A_79 = arith.constant 32 : i32
      %roll3A_80 = tpu.dynamic_rotate %select_n3A_72 by %roll3A_79 dim 1 : vector<128x4224xf32>, i32 -> vector<128x4224xf32>
      %select_n3A_81 = arith.select %ne3A_78, %roll3A_80, %select_n3A_72 : vector<128x4224xi1>, vector<128x4224xf32>
      %and3A_82 = arith.constant 64 : i32
      %and3A_83 = vector.broadcast %and3A_82 : i32 to vector<128x4224xi32>
      %and3A_84 = arith.andi %iota3A, %and3A_83 : vector<128x4224xi32>
      %ne3A_85 = arith.constant 0 : i32
      %ne3A_86 = vector.broadcast %ne3A_85 : i32 to vector<128x4224xi32>
      %ne3A_87 = arith.cmpi ne, %and3A_84, %ne3A_86 : vector<128x4224xi32>
      %roll3A_88 = arith.constant 64 : i32
      %roll3A_89 = tpu.dynamic_rotate %select_n3A_81 by %roll3A_88 dim 1 : vector<128x4224xf32>, i32 -> vector<128x4224xf32>
      %select_n3A_90 = arith.select %ne3A_87, %roll3A_89, %select_n3A_81 : vector<128x4224xi1>, vector<128x4224xf32>
      %swap3A = arith.constant 1 : index
      %swap3A_91 = arith.constant 0 : index
      %swap3A_92 = arith.constant 0 : index
      %swap3A_93 = vector.load %arg3[%swap3A, %swap3A_91, %swap3A_92] : memref<2x128x4224xf32, #tpu.memory_space<vmem>>, vector<1x128x4224xf32>
      %swap3A_94 = vector.shape_cast %swap3A_93 : vector<1x128x4224xf32> to vector<128x4224xf32>
      %swap3A_95 = vector.shape_cast %select_n3A_90 : vector<128x4224xf32> to vector<1x128x4224xf32>
      tpu.vector_store %arg3[%swap3A, %swap3A_91, %swap3A_92], %swap3A_95 {strides = array<i32>} : memref<2x128x4224xf32, #tpu.memory_space<vmem>>, vector<1x128x4224xf32>,
      %dma_start3A = arith.constant 1 : i32
      %dma_start3A_96 = arith.constant 0 : i32
      %dma_start3A_97 = arith.constant 0 : i32
      %dma_start3A_98 = arith.constant 0 : i32
      %dma_start3A_99 = tpu.memref_slice %arg2[%dma_start3A_96, %arg0, %dma_start3A_97, %dma_start3A_98] : memref<1x16x2048x2048xf32, #tpu.memory_space<any>> -> memref<1x1x128x2048xf32, #tpu.memory_space<any>>
      %dma_start3A_100 = tpu.memref_squeeze %dma_start3A_99 : memref<1x1x128x2048xf32, #tpu.memory_space<any>> -> memref<128x2048xf32, #tpu.memory_space<any>>
      %dma_start3A_101 = arith.constant 0 : i32
      %dma_start3A_102 = arith.constant 2048 : i32
      %dma_start3A_103 = tpu.memref_slice %arg3[%dma_start3A, %dma_start3A_101, %dma_start3A_102] : memref<2x128x4224xf32, #tpu.memory_space<vmem>> -> memref<1x128x2048xf32, #tpu.memory_space<vmem>>
      %dma_start3A_104 = tpu.memref_squeeze %dma_start3A_103 : memref<1x128x2048xf32, #tpu.memory_space<vmem>> -> memref<128x2048xf32, #tpu.memory_space<vmem>>
      tpu.enqueue_dma source(%dma_start3A_104 : memref<128x2048xf32, #tpu.memory_space<vmem>>) target(%dma_start3A_100 : memref<128x2048xf32, #tpu.memory_space<any>>) target_semaphore(%arg5 : memref<!tpu.dma_semaphore, #tpu.memory_space<semaphore_mem>>)
      %dma_start3A_105 = arith.constant 1 : i32
      %dma_start3A_106 = arith.constant 0 : i32
      %dma_start3A_107 = arith.constant 128 : i32
      %dma_start3A_108 = arith.constant 0 : i32
      %dma_start3A_109 = tpu.memref_slice %arg2[%dma_start3A_106, %arg0, %dma_start3A_107, %dma_start3A_108] : memref<1x16x2048x2048xf32, #tpu.memory_space<any>> -> memref<1x1x128x2048xf32, #tpu.memory_space<any>>
      %dma_start3A_110 = tpu.memref_squeeze %dma_start3A_109 : memref<1x1x128x2048xf32, #tpu.memory_space<any>> -> memref<128x2048xf32, #tpu.memory_space<any>>
      %dma_start3A_111 = arith.constant 0 : i32
      %dma_start3A_112 = arith.constant 1920 : i32
      %dma_start3A_113 = tpu.memref_slice %arg3[%dma_start3A_105, %dma_start3A_111, %dma_start3A_112] : memref<2x128x4224xf32, #tpu.memory_space<vmem>> -> memref<1x128x2048xf32, #tpu.memory_space<vmem>>
      %dma_start3A_114 = tpu.memref_squeeze %dma_start3A_113 : memref<1x128x2048xf32, #tpu.memory_space<vmem>> -> memref<128x2048xf32, #tpu.memory_space<vmem>>
      tpu.enqueue_dma source(%dma_start3A_114 : memref<128x2048xf32, #tpu.memory_space<vmem>>) target(%dma_start3A_110 : memref<128x2048xf32, #tpu.memory_space<any>>) target_semaphore(%arg5 : memref<!tpu.dma_semaphore, #tpu.memory_space<semaphore_mem>>)
      %dma_start3A_115 = arith.constant 1 : i32
      %dma_start3A_116 = arith.constant 0 : i32
      %dma_start3A_117 = arith.constant 256 : i32
      %dma_start3A_118 = arith.constant 0 : i32
      %dma_start3A_119 = tpu.memref_slice %arg2[%dma_start3A_116, %arg0, %dma_start3A_117, %dma_start3A_118] : memref<1x16x2048x2048xf32, #tpu.memory_space<any>> -> memref<1x1x128x2048xf32, #tpu.memory_space<any>>
      %dma_start3A_120 = tpu.memref_squeeze %dma_start3A_119 : memref<1x1x128x2048xf32, #tpu.memory_space<any>> -> memref<128x2048xf32, #tpu.memory_space<any>>
      %dma_start3A_121 = arith.constant 0 : i32
      %dma_start3A_122 = arith.constant 1792 : i32
      %dma_start3A_123 = tpu.memref_slice %arg3[%dma_start3A_115, %dma_start3A_121, %dma_start3A_122] : memref<2x128x4224xf32, #tpu.memory_space<vmem>> -> memref<1x128x2048xf32, #tpu.memory_space<vmem>>
      %dma_start3A_124 = tpu.memref_squeeze %dma_start3A_123 : memref<1x128x2048xf32, #tpu.memory_space<vmem>> -> memref<128x2048xf32, #tpu.memory_space<vmem>>
      tpu.enqueue_dma source(%dma_start3A_124 : memref<128x2048xf32, #tpu.memory_space<vmem>>) target(%dma_start3A_120 : memref<128x2048xf32, #tpu.memory_space<any>>) target_semaphore(%arg5 : memref<!tpu.dma_semaphore, #tpu.memory_space<semaphore_mem>>)
      %dma_start3A_125 = arith.constant 1 : i32
      %dma_start3A_126 = arith.constant 0 : i32
      %dma_start3A_127 = arith.constant 384 : i32
      %dma_start3A_128 = arith.constant 0 : i32
      %dma_start3A_129 = tpu.memref_slice %arg2[%dma_start3A_126, %arg0, %dma_start3A_127, %dma_start3A_128] : memref<1x16x2048x2048xf32, #tpu.memory_space<any>> -> memref<1x1x128x2048xf32, #tpu.memory_space<any>>
      %dma_start3A_130 = tpu.memref_squeeze %dma_start3A_129 : memref<1x1x128x2048xf32, #tpu.memory_space<any>> -> memref<128x2048xf32, #tpu.memory_space<any>>
      %dma_start3A_131 = arith.constant 0 : i32
      %dma_start3A_132 = arith.constant 1664 : i32
      %dma_start3A_133 = tpu.memref_slice %arg3[%dma_start3A_125, %dma_start3A_131, %dma_start3A_132] : memref<2x128x4224xf32, #tpu.memory_space<vmem>> -> memref<1x128x2048xf32, #tpu.memory_space<vmem>>
      %dma_start3A_134 = tpu.memref_squeeze %dma_start3A_133 : memref<1x128x2048xf32, #tpu.memory_space<vmem>> -> memref<128x2048xf32, #tpu.memory_space<vmem>>
      tpu.enqueue_dma source(%dma_start3A_134 : memref<128x2048xf32, #tpu.memory_space<vmem>>) target(%dma_start3A_130 : memref<128x2048xf32, #tpu.memory_space<any>>) target_semaphore(%arg5 : memref<!tpu.dma_semaphore, #tpu.memory_space<semaphore_mem>>)
      %dma_start3A_135 = arith.constant 1 : i32
      %dma_start3A_136 = arith.constant 0 : i32
      %dma_start3A_137 = arith.constant 512 : i32
      %dma_start3A_138 = arith.constant 0 : i32
      %dma_start3A_139 = tpu.memref_slice %arg2[%dma_start3A_136, %arg0, %dma_start3A_137, %dma_start3A_138] : memref<1x16x2048x2048xf32, #tpu.memory_space<any>> -> memref<1x1x128x2048xf32, #tpu.memory_space<any>>
      %dma_start3A_140 = tpu.memref_squeeze %dma_start3A_139 : memref<1x1x128x2048xf32, #tpu.memory_space<any>> -> memref<128x2048xf32, #tpu.memory_space<any>>
      %dma_start3A_141 = arith.constant 0 : i32
      %dma_start3A_142 = arith.constant 1536 : i32
      %dma_start3A_143 = tpu.memref_slice %arg3[%dma_start3A_135, %dma_start3A_141, %dma_start3A_142] : memref<2x128x4224xf32, #tpu.memory_space<vmem>> -> memref<1x128x2048xf32, #tpu.memory_space<vmem>>
      %dma_start3A_144 = tpu.memref_squeeze %dma_start3A_143 : memref<1x128x2048xf32, #tpu.memory_space<vmem>> -> memref<128x2048xf32, #tpu.memory_space<vmem>>
      tpu.enqueue_dma source(%dma_start3A_144 : memref<128x2048xf32, #tpu.memory_space<vmem>>) target(%dma_start3A_140 : memref<128x2048xf32, #tpu.memory_space<any>>) target_semaphore(%arg5 : memref<!tpu.dma_semaphore, #tpu.memory_space<semaphore_mem>>)
      %dma_start3A_145 = arith.constant 1 : i32
      %dma_start3A_146 = arith.constant 0 : i32
      %dma_start3A_147 = arith.constant 640 : i32
      %dma_start3A_148 = arith.constant 0 : i32
      %dma_start3A_149 = tpu.memref_slice %arg2[%dma_start3A_146, %arg0, %dma_start3A_147, %dma_start3A_148] : memref<1x16x2048x2048xf32, #tpu.memory_space<any>> -> memref<1x1x128x2048xf32, #tpu.memory_space<any>>
      %dma_start3A_150 = tpu.memref_squeeze %dma_start3A_149 : memref<1x1x128x2048xf32, #tpu.memory_space<any>> -> memref<128x2048xf32, #tpu.memory_space<any>>
      %dma_start3A_151 = arith.constant 0 : i32
      %dma_start3A_152 = arith.constant 1408 : i32
      %dma_start3A_153 = tpu.memref_slice %arg3[%dma_start3A_145, %dma_start3A_151, %dma_start3A_152] : memref<2x128x4224xf32, #tpu.memory_space<vmem>> -> memref<1x128x2048xf32, #tpu.memory_space<vmem>>
      %dma_start3A_154 = tpu.memref_squeeze %dma_start3A_153 : memref<1x128x2048xf32, #tpu.memory_space<vmem>> -> memref<128x2048xf32, #tpu.memory_space<vmem>>
      tpu.enqueue_dma source(%dma_start3A_154 : memref<128x2048xf32, #tpu.memory_space<vmem>>) target(%dma_start3A_150 : memref<128x2048xf32, #tpu.memory_space<any>>) target_semaphore(%arg5 : memref<!tpu.dma_semaphore, #tpu.memory_space<semaphore_mem>>)
      %dma_start3A_155 = arith.constant 1 : i32
      %dma_start3A_156 = arith.constant 0 : i32
      %dma_start3A_157 = arith.constant 768 : i32
      %dma_start3A_158 = arith.constant 0 : i32
      %dma_start3A_159 = tpu.memref_slice %arg2[%dma_start3A_156, %arg0, %dma_start3A_157, %dma_start3A_158] : memref<1x16x2048x2048xf32, #tpu.memory_space<any>> -> memref<1x1x128x2048xf32, #tpu.memory_space<any>>
      %dma_start3A_160 = tpu.memref_squeeze %dma_start3A_159 : memref<1x1x128x2048xf32, #tpu.memory_space<any>> -> memref<128x2048xf32, #tpu.memory_space<any>>
      %dma_start3A_161 = arith.constant 0 : i32
      %dma_start3A_162 = arith.constant 1280 : i32
      %dma_start3A_163 = tpu.memref_slice %arg3[%dma_start3A_155, %dma_start3A_161, %dma_start3A_162] : memref<2x128x4224xf32, #tpu.memory_space<vmem>> -> memref<1x128x2048xf32, #tpu.memory_space<vmem>>
      %dma_start3A_164 = tpu.memref_squeeze %dma_start3A_163 : memref<1x128x2048xf32, #tpu.memory_space<vmem>> -> memref<128x2048xf32, #tpu.memory_space<vmem>>
      tpu.enqueue_dma source(%dma_start3A_164 : memref<128x2048xf32, #tpu.memory_space<vmem>>) target(%dma_start3A_160 : memref<128x2048xf32, #tpu.memory_space<any>>) target_semaphore(%arg5 : memref<!tpu.dma_semaphore, #tpu.memory_space<semaphore_mem>>)
      %dma_start3A_165 = arith.constant 1 : i32
      %dma_start3A_166 = arith.constant 0 : i32
      %dma_start3A_167 = arith.constant 896 : i32
      %dma_start3A_168 = arith.constant 0 : i32
      %dma_start3A_169 = tpu.memref_slice %arg2[%dma_start3A_166, %arg0, %dma_start3A_167, %dma_start3A_168] : memref<1x16x2048x2048xf32, #tpu.memory_space<any>> -> memref<1x1x128x2048xf32, #tpu.memory_space<any>>
      %dma_start3A_170 = tpu.memref_squeeze %dma_start3A_169 : memref<1x1x128x2048xf32, #tpu.memory_space<any>> -> memref<128x2048xf32, #tpu.memory_space<any>>
      %dma_start3A_171 = arith.constant 0 : i32
      %dma_start3A_172 = arith.constant 1152 : i32
      %dma_start3A_173 = tpu.memref_slice %arg3[%dma_start3A_165, %dma_start3A_171, %dma_start3A_172] : memref<2x128x4224xf32, #tpu.memory_space<vmem>> -> memref<1x128x2048xf32, #tpu.memory_space<vmem>>
      %dma_start3A_174 = tpu.memref_squeeze %dma_start3A_173 : memref<1x128x2048xf32, #tpu.memory_space<vmem>> -> memref<128x2048xf32, #tpu.memory_space<vmem>>
      tpu.enqueue_dma source(%dma_start3A_174 : memref<128x2048xf32, #tpu.memory_space<vmem>>) target(%dma_start3A_170 : memref<128x2048xf32, #tpu.memory_space<any>>) target_semaphore(%arg5 : memref<!tpu.dma_semaphore, #tpu.memory_space<semaphore_mem>>)
      %dma_start3A_175 = arith.constant 1 : i32
      %dma_start3A_176 = arith.constant 0 : i32
      %dma_start3A_177 = arith.constant 1024 : i32
      %dma_start3A_178 = arith.constant 0 : i32
      %dma_start3A_179 = tpu.memref_slice %arg2[%dma_start3A_176, %arg0, %dma_start3A_177, %dma_start3A_178] : memref<1x16x2048x2048xf32, #tpu.memory_space<any>> -> memref<1x1x128x2048xf32, #tpu.memory_space<any>>
      %dma_start3A_180 = tpu.memref_squeeze %dma_start3A_179 : memref<1x1x128x2048xf32, #tpu.memory_space<any>> -> memref<128x2048xf32, #tpu.memory_space<any>>
      %dma_start3A_181 = arith.constant 0 : i32
      %dma_start3A_182 = arith.constant 1024 : i32
      %dma_start3A_183 = tpu.memref_slice %arg3[%dma_start3A_175, %dma_start3A_181, %dma_start3A_182] : memref<2x128x4224xf32, #tpu.memory_space<vmem>> -> memref<1x128x2048xf32, #tpu.memory_space<vmem>>
      %dma_start3A_184 = tpu.memref_squeeze %dma_start3A_183 : memref<1x128x2048xf32, #tpu.memory_space<vmem>> -> memref<128x2048xf32, #tpu.memory_space<vmem>>
      tpu.enqueue_dma source(%dma_start3A_184 : memref<128x2048xf32, #tpu.memory_space<vmem>>) target(%dma_start3A_180 : memref<128x2048xf32, #tpu.memory_space<any>>) target_semaphore(%arg5 : memref<!tpu.dma_semaphore, #tpu.memory_space<semaphore_mem>>)
      %dma_start3A_185 = arith.constant 1 : i32
      %dma_start3A_186 = arith.constant 0 : i32
      %dma_start3A_187 = arith.constant 1152 : i32
      %dma_start3A_188 = arith.constant 0 : i32
      %dma_start3A_189 = tpu.memref_slice %arg2[%dma_start3A_186, %arg0, %dma_start3A_187, %dma_start3A_188] : memref<1x16x2048x2048xf32, #tpu.memory_space<any>> -> memref<1x1x128x2048xf32, #tpu.memory_space<any>>
      %dma_start3A_190 = tpu.memref_squeeze %dma_start3A_189 : memref<1x1x128x2048xf32, #tpu.memory_space<any>> -> memref<128x2048xf32, #tpu.memory_space<any>>
      %dma_start3A_191 = arith.constant 0 : i32
      %dma_start3A_192 = arith.constant 896 : i32
      %dma_start3A_193 = tpu.memref_slice %arg3[%dma_start3A_185, %dma_start3A_191, %dma_start3A_192] : memref<2x128x4224xf32, #tpu.memory_space<vmem>> -> memref<1x128x2048xf32, #tpu.memory_space<vmem>>
      %dma_start3A_194 = tpu.memref_squeeze %dma_start3A_193 : memref<1x128x2048xf32, #tpu.memory_space<vmem>> -> memref<128x2048xf32, #tpu.memory_space<vmem>>
      tpu.enqueue_dma source(%dma_start3A_194 : memref<128x2048xf32, #tpu.memory_space<vmem>>) target(%dma_start3A_190 : memref<128x2048xf32, #tpu.memory_space<any>>) target_semaphore(%arg5 : memref<!tpu.dma_semaphore, #tpu.memory_space<semaphore_mem>>)
      %dma_start3A_195 = arith.constant 1 : i32
      %dma_start3A_196 = arith.constant 0 : i32
      %dma_start3A_197 = arith.constant 1280 : i32
      %dma_start3A_198 = arith.constant 0 : i32
      %dma_start3A_199 = tpu.memref_slice %arg2[%dma_start3A_196, %arg0, %dma_start3A_197, %dma_start3A_198] : memref<1x16x2048x2048xf32, #tpu.memory_space<any>> -> memref<1x1x128x2048xf32, #tpu.memory_space<any>>
      %dma_start3A_200 = tpu.memref_squeeze %dma_start3A_199 : memref<1x1x128x2048xf32, #tpu.memory_space<any>> -> memref<128x2048xf32, #tpu.memory_space<any>>
      %dma_start3A_201 = arith.constant 0 : i32
      %dma_start3A_202 = arith.constant 768 : i32
      %dma_start3A_203 = tpu.memref_slice %arg3[%dma_start3A_195, %dma_start3A_201, %dma_start3A_202] : memref<2x128x4224xf32, #tpu.memory_space<vmem>> -> memref<1x128x2048xf32, #tpu.memory_space<vmem>>
      %dma_start3A_204 = tpu.memref_squeeze %dma_start3A_203 : memref<1x128x2048xf32, #tpu.memory_space<vmem>> -> memref<128x2048xf32, #tpu.memory_space<vmem>>
      tpu.enqueue_dma source(%dma_start3A_204 : memref<128x2048xf32, #tpu.memory_space<vmem>>) target(%dma_start3A_200 : memref<128x2048xf32, #tpu.memory_space<any>>) target_semaphore(%arg5 : memref<!tpu.dma_semaphore, #tpu.memory_space<semaphore_mem>>)
      %dma_start3A_205 = arith.constant 1 : i32
      %dma_start3A_206 = arith.constant 0 : i32
      %dma_start3A_207 = arith.constant 1408 : i32
      %dma_start3A_208 = arith.constant 0 : i32
      %dma_start3A_209 = tpu.memref_slice %arg2[%dma_start3A_206, %arg0, %dma_start3A_207, %dma_start3A_208] : memref<1x16x2048x2048xf32, #tpu.memory_space<any>> -> memref<1x1x128x2048xf32, #tpu.memory_space<any>>
      %dma_start3A_210 = tpu.memref_squeeze %dma_start3A_209 : memref<1x1x128x2048xf32, #tpu.memory_space<any>> -> memref<128x2048xf32, #tpu.memory_space<any>>
      %dma_start3A_211 = arith.constant 0 : i32
      %dma_start3A_212 = arith.constant 640 : i32
      %dma_start3A_213 = tpu.memref_slice %arg3[%dma_start3A_205, %dma_start3A_211, %dma_start3A_212] : memref<2x128x4224xf32, #tpu.memory_space<vmem>> -> memref<1x128x2048xf32, #tpu.memory_space<vmem>>
      %dma_start3A_214 = tpu.memref_squeeze %dma_start3A_213 : memref<1x128x2048xf32, #tpu.memory_space<vmem>> -> memref<128x2048xf32, #tpu.memory_space<vmem>>
      tpu.enqueue_dma source(%dma_start3A_214 : memref<128x2048xf32, #tpu.memory_space<vmem>>) target(%dma_start3A_210 : memref<128x2048xf32, #tpu.memory_space<any>>) target_semaphore(%arg5 : memref<!tpu.dma_semaphore, #tpu.memory_space<semaphore_mem>>)
      %dma_start3A_215 = arith.constant 1 : i32
      %dma_start3A_216 = arith.constant 0 : i32
      %dma_start3A_217 = arith.constant 1536 : i32
      %dma_start3A_218 = arith.constant 0 : i32
      %dma_start3A_219 = tpu.memref_slice %arg2[%dma_start3A_216, %arg0, %dma_start3A_217, %dma_start3A_218] : memref<1x16x2048x2048xf32, #tpu.memory_space<any>> -> memref<1x1x128x2048xf32, #tpu.memory_space<any>>
      %dma_start3A_220 = tpu.memref_squeeze %dma_start3A_219 : memref<1x1x128x2048xf32, #tpu.memory_space<any>> -> memref<128x2048xf32, #tpu.memory_space<any>>
      %dma_start3A_221 = arith.constant 0 : i32
      %dma_start3A_222 = arith.constant 512 : i32
      %dma_start3A_223 = tpu.memref_slice %arg3[%dma_start3A_215, %dma_start3A_221, %dma_start3A_222] : memref<2x128x4224xf32, #tpu.memory_space<vmem>> -> memref<1x128x2048xf32, #tpu.memory_space<vmem>>
      %dma_start3A_224 = tpu.memref_squeeze %dma_start3A_223 : memref<1x128x2048xf32, #tpu.memory_space<vmem>> -> memref<128x2048xf32, #tpu.memory_space<vmem>>
      tpu.enqueue_dma source(%dma_start3A_224 : memref<128x2048xf32, #tpu.memory_space<vmem>>) target(%dma_start3A_220 : memref<128x2048xf32, #tpu.memory_space<any>>) target_semaphore(%arg5 : memref<!tpu.dma_semaphore, #tpu.memory_space<semaphore_mem>>)
      %dma_start3A_225 = arith.constant 1 : i32
      %dma_start3A_226 = arith.constant 0 : i32
      %dma_start3A_227 = arith.constant 1664 : i32
      %dma_start3A_228 = arith.constant 0 : i32
      %dma_start3A_229 = tpu.memref_slice %arg2[%dma_start3A_226, %arg0, %dma_start3A_227, %dma_start3A_228] : memref<1x16x2048x2048xf32, #tpu.memory_space<any>> -> memref<1x1x128x2048xf32, #tpu.memory_space<any>>
      %dma_start3A_230 = tpu.memref_squeeze %dma_start3A_229 : memref<1x1x128x2048xf32, #tpu.memory_space<any>> -> memref<128x2048xf32, #tpu.memory_space<any>>
      %dma_start3A_231 = arith.constant 0 : i32
      %dma_start3A_232 = arith.constant 384 : i32
      %dma_start3A_233 = tpu.memref_slice %arg3[%dma_start3A_225, %dma_start3A_231, %dma_start3A_232] : memref<2x128x4224xf32, #tpu.memory_space<vmem>> -> memref<1x128x2048xf32, #tpu.memory_space<vmem>>
      %dma_start3A_234 = tpu.memref_squeeze %dma_start3A_233 : memref<1x128x2048xf32, #tpu.memory_space<vmem>> -> memref<128x2048xf32, #tpu.memory_space<vmem>>
      tpu.enqueue_dma source(%dma_start3A_234 : memref<128x2048xf32, #tpu.memory_space<vmem>>) target(%dma_start3A_230 : memref<128x2048xf32, #tpu.memory_space<any>>) target_semaphore(%arg5 : memref<!tpu.dma_semaphore, #tpu.memory_space<semaphore_mem>>)
      %dma_start3A_235 = arith.constant 1 : i32
      %dma_start3A_236 = arith.constant 0 : i32
      %dma_start3A_237 = arith.constant 1792 : i32
      %dma_start3A_238 = arith.constant 0 : i32
      %dma_start3A_239 = tpu.memref_slice %arg2[%dma_start3A_236, %arg0, %dma_start3A_237, %dma_start3A_238] : memref<1x16x2048x2048xf32, #tpu.memory_space<any>> -> memref<1x1x128x2048xf32, #tpu.memory_space<any>>
      %dma_start3A_240 = tpu.memref_squeeze %dma_start3A_239 : memref<1x1x128x2048xf32, #tpu.memory_space<any>> -> memref<128x2048xf32, #tpu.memory_space<any>>
      %dma_start3A_241 = arith.constant 0 : i32
      %dma_start3A_242 = arith.constant 256 : i32
      %dma_start3A_243 = tpu.memref_slice %arg3[%dma_start3A_235, %dma_start3A_241, %dma_start3A_242] : memref<2x128x4224xf32, #tpu.memory_space<vmem>> -> memref<1x128x2048xf32, #tpu.memory_space<vmem>>
      %dma_start3A_244 = tpu.memref_squeeze %dma_start3A_243 : memref<1x128x2048xf32, #tpu.memory_space<vmem>> -> memref<128x2048xf32, #tpu.memory_space<vmem>>
      tpu.enqueue_dma source(%dma_start3A_244 : memref<128x2048xf32, #tpu.memory_space<vmem>>) target(%dma_start3A_240 : memref<128x2048xf32, #tpu.memory_space<any>>) target_semaphore(%arg5 : memref<!tpu.dma_semaphore, #tpu.memory_space<semaphore_mem>>)
      %dma_start3A_245 = arith.constant 1 : i32
      %dma_start3A_246 = arith.constant 0 : i32
      %dma_start3A_247 = arith.constant 1920 : i32
      %dma_start3A_248 = arith.constant 0 : i32
      %dma_start3A_249 = tpu.memref_slice %arg2[%dma_start3A_246, %arg0, %dma_start3A_247, %dma_start3A_248] : memref<1x16x2048x2048xf32, #tpu.memory_space<any>> -> memref<1x1x128x2048xf32, #tpu.memory_space<any>>
      %dma_start3A_250 = tpu.memref_squeeze %dma_start3A_249 : memref<1x1x128x2048xf32, #tpu.memory_space<any>> -> memref<128x2048xf32, #tpu.memory_space<any>>
      %dma_start3A_251 = arith.constant 0 : i32
      %dma_start3A_252 = arith.constant 128 : i32
      %dma_start3A_253 = tpu.memref_slice %arg3[%dma_start3A_245, %dma_start3A_251, %dma_start3A_252] : memref<2x128x4224xf32, #tpu.memory_space<vmem>> -> memref<1x128x2048xf32, #tpu.memory_space<vmem>>
      %dma_start3A_254 = tpu.memref_squeeze %dma_start3A_253 : memref<1x128x2048xf32, #tpu.memory_space<vmem>> -> memref<128x2048xf32, #tpu.memory_space<vmem>>
      tpu.enqueue_dma source(%dma_start3A_254 : memref<128x2048xf32, #tpu.memory_space<vmem>>) target(%dma_start3A_250 : memref<128x2048xf32, #tpu.memory_space<any>>) target_semaphore(%arg5 : memref<!tpu.dma_semaphore, #tpu.memory_space<semaphore_mem>>)
    } else {
    }
    %eq3A_15 = arith.constant 15 : i32
    %eq3A_16 = arith.cmpi eq, %arg0, %eq3A_15 : i32
    %convert_element_type3A_17 = arith.extui %eq3A_16 : i1 to i32
    %cond3A_18 = arith.constant 0 : i32
    %cond3A_19 = arith.cmpi ne, %convert_element_type3A_17, %cond3A_18 : i32
    scf.if %cond3A_19 {
      %sub3A = arith.constant 1 : i32
      %sub3A_20 = arith.subi %arg0, %sub3A : i32
      %dma_wait3A = arith.constant 0 : i32
      %dma_wait3A_21 = arith.constant 0 : i32
      %dma_wait3A_22 = arith.constant 0 : i32
      %dma_wait3A_23 = arith.constant 0 : i32
      %dma_wait3A_24 = tpu.memref_slice %arg2[%dma_wait3A_21, %sub3A_20, %dma_wait3A_22, %dma_wait3A_23] : memref<1x16x2048x2048xf32, #tpu.memory_space<any>> -> memref<1x1x128x2048xf32, #tpu.memory_space<any>>
      %dma_wait3A_25 = tpu.memref_squeeze %dma_wait3A_24 : memref<1x1x128x2048xf32, #tpu.memory_space<any>> -> memref<128x2048xf32, #tpu.memory_space<any>>
      %dma_wait3A_26 = arith.constant 0 : i32
      %dma_wait3A_27 = arith.constant 2048 : i32
      %dma_wait3A_28 = tpu.memref_slice %arg3[%dma_wait3A, %dma_wait3A_26, %dma_wait3A_27] : memref<2x128x4224xf32, #tpu.memory_space<vmem>> -> memref<1x128x2048xf32, #tpu.memory_space<vmem>>
      %dma_wait3A_29 = tpu.memref_squeeze %dma_wait3A_28 : memref<1x128x2048xf32, #tpu.memory_space<vmem>> -> memref<128x2048xf32, #tpu.memory_space<vmem>>
      tpu.wait_dma2 semaphore(%arg4 : memref<!tpu.dma_semaphore, #tpu.memory_space<semaphore_mem>>) src(%dma_wait3A_29 : memref<128x2048xf32, #tpu.memory_space<vmem>>) dst(%dma_wait3A_25 : memref<128x2048xf32, #tpu.memory_space<any>>)
      %dma_wait3A_30 = arith.constant 0 : i32
      %dma_wait3A_31 = arith.constant 0 : i32
      %dma_wait3A_32 = arith.constant 128 : i32
      %dma_wait3A_33 = arith.constant 0 : i32
      %dma_wait3A_34 = tpu.memref_slice %arg2[%dma_wait3A_31, %sub3A_20, %dma_wait3A_32, %dma_wait3A_33] : memref<1x16x2048x2048xf32, #tpu.memory_space<any>> -> memref<1x1x128x2048xf32, #tpu.memory_space<any>>
      %dma_wait3A_35 = tpu.memref_squeeze %dma_wait3A_34 : memref<1x1x128x2048xf32, #tpu.memory_space<any>> -> memref<128x2048xf32, #tpu.memory_space<any>>
      %dma_wait3A_36 = arith.constant 0 : i32
      %dma_wait3A_37 = arith.constant 1920 : i32
      %dma_wait3A_38 = tpu.memref_slice %arg3[%dma_wait3A_30, %dma_wait3A_36, %dma_wait3A_37] : memref<2x128x4224xf32, #tpu.memory_space<vmem>> -> memref<1x128x2048xf32, #tpu.memory_space<vmem>>
      %dma_wait3A_39 = tpu.memref_squeeze %dma_wait3A_38 : memref<1x128x2048xf32, #tpu.memory_space<vmem>> -> memref<128x2048xf32, #tpu.memory_space<vmem>>
      tpu.wait_dma2 semaphore(%arg4 : memref<!tpu.dma_semaphore, #tpu.memory_space<semaphore_mem>>) src(%dma_wait3A_39 : memref<128x2048xf32, #tpu.memory_space<vmem>>) dst(%dma_wait3A_35 : memref<128x2048xf32, #tpu.memory_space<any>>)
      %dma_wait3A_40 = arith.constant 0 : i32
      %dma_wait3A_41 = arith.constant 0 : i32
      %dma_wait3A_42 = arith.constant 256 : i32
      %dma_wait3A_43 = arith.constant 0 : i32
      %dma_wait3A_44 = tpu.memref_slice %arg2[%dma_wait3A_41, %sub3A_20, %dma_wait3A_42, %dma_wait3A_43] : memref<1x16x2048x2048xf32, #tpu.memory_space<any>> -> memref<1x1x128x2048xf32, #tpu.memory_space<any>>
      %dma_wait3A_45 = tpu.memref_squeeze %dma_wait3A_44 : memref<1x1x128x2048xf32, #tpu.memory_space<any>> -> memref<128x2048xf32, #tpu.memory_space<any>>
      %dma_wait3A_46 = arith.constant 0 : i32
      %dma_wait3A_47 = arith.constant 1792 : i32
      %dma_wait3A_48 = tpu.memref_slice %arg3[%dma_wait3A_40, %dma_wait3A_46, %dma_wait3A_47] : memref<2x128x4224xf32, #tpu.memory_space<vmem>> -> memref<1x128x2048xf32, #tpu.memory_space<vmem>>
      %dma_wait3A_49 = tpu.memref_squeeze %dma_wait3A_48 : memref<1x128x2048xf32, #tpu.memory_space<vmem>> -> memref<128x2048xf32, #tpu.memory_space<vmem>>
      tpu.wait_dma2 semaphore(%arg4 : memref<!tpu.dma_semaphore, #tpu.memory_space<semaphore_mem>>) src(%dma_wait3A_49 : memref<128x2048xf32, #tpu.memory_space<vmem>>) dst(%dma_wait3A_45 : memref<128x2048xf32, #tpu.memory_space<any>>)
      %dma_wait3A_50 = arith.constant 0 : i32
      %dma_wait3A_51 = arith.constant 0 : i32
      %dma_wait3A_52 = arith.constant 384 : i32
      %dma_wait3A_53 = arith.constant 0 : i32
      %dma_wait3A_54 = tpu.memref_slice %arg2[%dma_wait3A_51, %sub3A_20, %dma_wait3A_52, %dma_wait3A_53] : memref<1x16x2048x2048xf32, #tpu.memory_space<any>> -> memref<1x1x128x2048xf32, #tpu.memory_space<any>>
      %dma_wait3A_55 = tpu.memref_squeeze %dma_wait3A_54 : memref<1x1x128x2048xf32, #tpu.memory_space<any>> -> memref<128x2048xf32, #tpu.memory_space<any>>
      %dma_wait3A_56 = arith.constant 0 : i32
      %dma_wait3A_57 = arith.constant 1664 : i32
      %dma_wait3A_58 = tpu.memref_slice %arg3[%dma_wait3A_50, %dma_wait3A_56, %dma_wait3A_57] : memref<2x128x4224xf32, #tpu.memory_space<vmem>> -> memref<1x128x2048xf32, #tpu.memory_space<vmem>>
      %dma_wait3A_59 = tpu.memref_squeeze %dma_wait3A_58 : memref<1x128x2048xf32, #tpu.memory_space<vmem>> -> memref<128x2048xf32, #tpu.memory_space<vmem>>
      tpu.wait_dma2 semaphore(%arg4 : memref<!tpu.dma_semaphore, #tpu.memory_space<semaphore_mem>>) src(%dma_wait3A_59 : memref<128x2048xf32, #tpu.memory_space<vmem>>) dst(%dma_wait3A_55 : memref<128x2048xf32, #tpu.memory_space<any>>)
      %dma_wait3A_60 = arith.constant 0 : i32
      %dma_wait3A_61 = arith.constant 0 : i32
      %dma_wait3A_62 = arith.constant 512 : i32
      %dma_wait3A_63 = arith.constant 0 : i32
      %dma_wait3A_64 = tpu.memref_slice %arg2[%dma_wait3A_61, %sub3A_20, %dma_wait3A_62, %dma_wait3A_63] : memref<1x16x2048x2048xf32, #tpu.memory_space<any>> -> memref<1x1x128x2048xf32, #tpu.memory_space<any>>
      %dma_wait3A_65 = tpu.memref_squeeze %dma_wait3A_64 : memref<1x1x128x2048xf32, #tpu.memory_space<any>> -> memref<128x2048xf32, #tpu.memory_space<any>>
      %dma_wait3A_66 = arith.constant 0 : i32
      %dma_wait3A_67 = arith.constant 1536 : i32
      %dma_wait3A_68 = tpu.memref_slice %arg3[%dma_wait3A_60, %dma_wait3A_66, %dma_wait3A_67] : memref<2x128x4224xf32, #tpu.memory_space<vmem>> -> memref<1x128x2048xf32, #tpu.memory_space<vmem>>
      %dma_wait3A_69 = tpu.memref_squeeze %dma_wait3A_68 : memref<1x128x2048xf32, #tpu.memory_space<vmem>> -> memref<128x2048xf32, #tpu.memory_space<vmem>>
      tpu.wait_dma2 semaphore(%arg4 : memref<!tpu.dma_semaphore, #tpu.memory_space<semaphore_mem>>) src(%dma_wait3A_69 : memref<128x2048xf32, #tpu.memory_space<vmem>>) dst(%dma_wait3A_65 : memref<128x2048xf32, #tpu.memory_space<any>>)
      %dma_wait3A_70 = arith.constant 0 : i32
      %dma_wait3A_71 = arith.constant 0 : i32
      %dma_wait3A_72 = arith.constant 640 : i32
      %dma_wait3A_73 = arith.constant 0 : i32
      %dma_wait3A_74 = tpu.memref_slice %arg2[%dma_wait3A_71, %sub3A_20, %dma_wait3A_72, %dma_wait3A_73] : memref<1x16x2048x2048xf32, #tpu.memory_space<any>> -> memref<1x1x128x2048xf32, #tpu.memory_space<any>>
      %dma_wait3A_75 = tpu.memref_squeeze %dma_wait3A_74 : memref<1x1x128x2048xf32, #tpu.memory_space<any>> -> memref<128x2048xf32, #tpu.memory_space<any>>
      %dma_wait3A_76 = arith.constant 0 : i32
      %dma_wait3A_77 = arith.constant 1408 : i32
      %dma_wait3A_78 = tpu.memref_slice %arg3[%dma_wait3A_70, %dma_wait3A_76, %dma_wait3A_77] : memref<2x128x4224xf32, #tpu.memory_space<vmem>> -> memref<1x128x2048xf32, #tpu.memory_space<vmem>>
      %dma_wait3A_79 = tpu.memref_squeeze %dma_wait3A_78 : memref<1x128x2048xf32, #tpu.memory_space<vmem>> -> memref<128x2048xf32, #tpu.memory_space<vmem>>
      tpu.wait_dma2 semaphore(%arg4 : memref<!tpu.dma_semaphore, #tpu.memory_space<semaphore_mem>>) src(%dma_wait3A_79 : memref<128x2048xf32, #tpu.memory_space<vmem>>) dst(%dma_wait3A_75 : memref<128x2048xf32, #tpu.memory_space<any>>)
      %dma_wait3A_80 = arith.constant 0 : i32
      %dma_wait3A_81 = arith.constant 0 : i32
      %dma_wait3A_82 = arith.constant 768 : i32
      %dma_wait3A_83 = arith.constant 0 : i32
      %dma_wait3A_84 = tpu.memref_slice %arg2[%dma_wait3A_81, %sub3A_20, %dma_wait3A_82, %dma_wait3A_83] : memref<1x16x2048x2048xf32, #tpu.memory_space<any>> -> memref<1x1x128x2048xf32, #tpu.memory_space<any>>
      %dma_wait3A_85 = tpu.memref_squeeze %dma_wait3A_84 : memref<1x1x128x2048xf32, #tpu.memory_space<any>> -> memref<128x2048xf32, #tpu.memory_space<any>>
      %dma_wait3A_86 = arith.constant 0 : i32
      %dma_wait3A_87 = arith.constant 1280 : i32
      %dma_wait3A_88 = tpu.memref_slice %arg3[%dma_wait3A_80, %dma_wait3A_86, %dma_wait3A_87] : memref<2x128x4224xf32, #tpu.memory_space<vmem>> -> memref<1x128x2048xf32, #tpu.memory_space<vmem>>
      %dma_wait3A_89 = tpu.memref_squeeze %dma_wait3A_88 : memref<1x128x2048xf32, #tpu.memory_space<vmem>> -> memref<128x2048xf32, #tpu.memory_space<vmem>>
      tpu.wait_dma2 semaphore(%arg4 : memref<!tpu.dma_semaphore, #tpu.memory_space<semaphore_mem>>) src(%dma_wait3A_89 : memref<128x2048xf32, #tpu.memory_space<vmem>>) dst(%dma_wait3A_85 : memref<128x2048xf32, #tpu.memory_space<any>>)
      %dma_wait3A_90 = arith.constant 0 : i32
      %dma_wait3A_91 = arith.constant 0 : i32
      %dma_wait3A_92 = arith.constant 896 : i32
      %dma_wait3A_93 = arith.constant 0 : i32
      %dma_wait3A_94 = tpu.memref_slice %arg2[%dma_wait3A_91, %sub3A_20, %dma_wait3A_92, %dma_wait3A_93] : memref<1x16x2048x2048xf32, #tpu.memory_space<any>> -> memref<1x1x128x2048xf32, #tpu.memory_space<any>>
      %dma_wait3A_95 = tpu.memref_squeeze %dma_wait3A_94 : memref<1x1x128x2048xf32, #tpu.memory_space<any>> -> memref<128x2048xf32, #tpu.memory_space<any>>
      %dma_wait3A_96 = arith.constant 0 : i32
      %dma_wait3A_97 = arith.constant 1152 : i32
      %dma_wait3A_98 = tpu.memref_slice %arg3[%dma_wait3A_90, %dma_wait3A_96, %dma_wait3A_97] : memref<2x128x4224xf32, #tpu.memory_space<vmem>> -> memref<1x128x2048xf32, #tpu.memory_space<vmem>>
      %dma_wait3A_99 = tpu.memref_squeeze %dma_wait3A_98 : memref<1x128x2048xf32, #tpu.memory_space<vmem>> -> memref<128x2048xf32, #tpu.memory_space<vmem>>
      tpu.wait_dma2 semaphore(%arg4 : memref<!tpu.dma_semaphore, #tpu.memory_space<semaphore_mem>>) src(%dma_wait3A_99 : memref<128x2048xf32, #tpu.memory_space<vmem>>) dst(%dma_wait3A_95 : memref<128x2048xf32, #tpu.memory_space<any>>)
      %dma_wait3A_100 = arith.constant 0 : i32
      %dma_wait3A_101 = arith.constant 0 : i32
      %dma_wait3A_102 = arith.constant 1024 : i32
      %dma_wait3A_103 = arith.constant 0 : i32
      %dma_wait3A_104 = tpu.memref_slice %arg2[%dma_wait3A_101, %sub3A_20, %dma_wait3A_102, %dma_wait3A_103] : memref<1x16x2048x2048xf32, #tpu.memory_space<any>> -> memref<1x1x128x2048xf32, #tpu.memory_space<any>>
      %dma_wait3A_105 = tpu.memref_squeeze %dma_wait3A_104 : memref<1x1x128x2048xf32, #tpu.memory_space<any>> -> memref<128x2048xf32, #tpu.memory_space<any>>
      %dma_wait3A_106 = arith.constant 0 : i32
      %dma_wait3A_107 = arith.constant 1024 : i32
      %dma_wait3A_108 = tpu.memref_slice %arg3[%dma_wait3A_100, %dma_wait3A_106, %dma_wait3A_107] : memref<2x128x4224xf32, #tpu.memory_space<vmem>> -> memref<1x128x2048xf32, #tpu.memory_space<vmem>>
      %dma_wait3A_109 = tpu.memref_squeeze %dma_wait3A_108 : memref<1x128x2048xf32, #tpu.memory_space<vmem>> -> memref<128x2048xf32, #tpu.memory_space<vmem>>
      tpu.wait_dma2 semaphore(%arg4 : memref<!tpu.dma_semaphore, #tpu.memory_space<semaphore_mem>>) src(%dma_wait3A_109 : memref<128x2048xf32, #tpu.memory_space<vmem>>) dst(%dma_wait3A_105 : memref<128x2048xf32, #tpu.memory_space<any>>)
      %dma_wait3A_110 = arith.constant 0 : i32
      %dma_wait3A_111 = arith.constant 0 : i32
      %dma_wait3A_112 = arith.constant 1152 : i32
      %dma_wait3A_113 = arith.constant 0 : i32
      %dma_wait3A_114 = tpu.memref_slice %arg2[%dma_wait3A_111, %sub3A_20, %dma_wait3A_112, %dma_wait3A_113] : memref<1x16x2048x2048xf32, #tpu.memory_space<any>> -> memref<1x1x128x2048xf32, #tpu.memory_space<any>>
      %dma_wait3A_115 = tpu.memref_squeeze %dma_wait3A_114 : memref<1x1x128x2048xf32, #tpu.memory_space<any>> -> memref<128x2048xf32, #tpu.memory_space<any>>
      %dma_wait3A_116 = arith.constant 0 : i32
      %dma_wait3A_117 = arith.constant 896 : i32
      %dma_wait3A_118 = tpu.memref_slice %arg3[%dma_wait3A_110, %dma_wait3A_116, %dma_wait3A_117] : memref<2x128x4224xf32, #tpu.memory_space<vmem>> -> memref<1x128x2048xf32, #tpu.memory_space<vmem>>
      %dma_wait3A_119 = tpu.memref_squeeze %dma_wait3A_118 : memref<1x128x2048xf32, #tpu.memory_space<vmem>> -> memref<128x2048xf32, #tpu.memory_space<vmem>>
      tpu.wait_dma2 semaphore(%arg4 : memref<!tpu.dma_semaphore, #tpu.memory_space<semaphore_mem>>) src(%dma_wait3A_119 : memref<128x2048xf32, #tpu.memory_space<vmem>>) dst(%dma_wait3A_115 : memref<128x2048xf32, #tpu.memory_space<any>>)
      %dma_wait3A_120 = arith.constant 0 : i32
      %dma_wait3A_121 = arith.constant 0 : i32
      %dma_wait3A_122 = arith.constant 1280 : i32
      %dma_wait3A_123 = arith.constant 0 : i32
      %dma_wait3A_124 = tpu.memref_slice %arg2[%dma_wait3A_121, %sub3A_20, %dma_wait3A_122, %dma_wait3A_123] : memref<1x16x2048x2048xf32, #tpu.memory_space<any>> -> memref<1x1x128x2048xf32, #tpu.memory_space<any>>
      %dma_wait3A_125 = tpu.memref_squeeze %dma_wait3A_124 : memref<1x1x128x2048xf32, #tpu.memory_space<any>> -> memref<128x2048xf32, #tpu.memory_space<any>>
      %dma_wait3A_126 = arith.constant 0 : i32
      %dma_wait3A_127 = arith.constant 768 : i32
      %dma_wait3A_128 = tpu.memref_slice %arg3[%dma_wait3A_120, %dma_wait3A_126, %dma_wait3A_127] : memref<2x128x4224xf32, #tpu.memory_space<vmem>> -> memref<1x128x2048xf32, #tpu.memory_space<vmem>>
      %dma_wait3A_129 = tpu.memref_squeeze %dma_wait3A_128 : memref<1x128x2048xf32, #tpu.memory_space<vmem>> -> memref<128x2048xf32, #tpu.memory_space<vmem>>
      tpu.wait_dma2 semaphore(%arg4 : memref<!tpu.dma_semaphore, #tpu.memory_space<semaphore_mem>>) src(%dma_wait3A_129 : memref<128x2048xf32, #tpu.memory_space<vmem>>) dst(%dma_wait3A_125 : memref<128x2048xf32, #tpu.memory_space<any>>)
      %dma_wait3A_130 = arith.constant 0 : i32
      %dma_wait3A_131 = arith.constant 0 : i32
      %dma_wait3A_132 = arith.constant 1408 : i32
      %dma_wait3A_133 = arith.constant 0 : i32
      %dma_wait3A_134 = tpu.memref_slice %arg2[%dma_wait3A_131, %sub3A_20, %dma_wait3A_132, %dma_wait3A_133] : memref<1x16x2048x2048xf32, #tpu.memory_space<any>> -> memref<1x1x128x2048xf32, #tpu.memory_space<any>>
      %dma_wait3A_135 = tpu.memref_squeeze %dma_wait3A_134 : memref<1x1x128x2048xf32, #tpu.memory_space<any>> -> memref<128x2048xf32, #tpu.memory_space<any>>
      %dma_wait3A_136 = arith.constant 0 : i32
      %dma_wait3A_137 = arith.constant 640 : i32
      %dma_wait3A_138 = tpu.memref_slice %arg3[%dma_wait3A_130, %dma_wait3A_136, %dma_wait3A_137] : memref<2x128x4224xf32, #tpu.memory_space<vmem>> -> memref<1x128x2048xf32, #tpu.memory_space<vmem>>
      %dma_wait3A_139 = tpu.memref_squeeze %dma_wait3A_138 : memref<1x128x2048xf32, #tpu.memory_space<vmem>> -> memref<128x2048xf32, #tpu.memory_space<vmem>>
      tpu.wait_dma2 semaphore(%arg4 : memref<!tpu.dma_semaphore, #tpu.memory_space<semaphore_mem>>) src(%dma_wait3A_139 : memref<128x2048xf32, #tpu.memory_space<vmem>>) dst(%dma_wait3A_135 : memref<128x2048xf32, #tpu.memory_space<any>>)
      %dma_wait3A_140 = arith.constant 0 : i32
      %dma_wait3A_141 = arith.constant 0 : i32
      %dma_wait3A_142 = arith.constant 1536 : i32
      %dma_wait3A_143 = arith.constant 0 : i32
      %dma_wait3A_144 = tpu.memref_slice %arg2[%dma_wait3A_141, %sub3A_20, %dma_wait3A_142, %dma_wait3A_143] : memref<1x16x2048x2048xf32, #tpu.memory_space<any>> -> memref<1x1x128x2048xf32, #tpu.memory_space<any>>
      %dma_wait3A_145 = tpu.memref_squeeze %dma_wait3A_144 : memref<1x1x128x2048xf32, #tpu.memory_space<any>> -> memref<128x2048xf32, #tpu.memory_space<any>>
      %dma_wait3A_146 = arith.constant 0 : i32
      %dma_wait3A_147 = arith.constant 512 : i32
      %dma_wait3A_148 = tpu.memref_slice %arg3[%dma_wait3A_140, %dma_wait3A_146, %dma_wait3A_147] : memref<2x128x4224xf32, #tpu.memory_space<vmem>> -> memref<1x128x2048xf32, #tpu.memory_space<vmem>>
      %dma_wait3A_149 = tpu.memref_squeeze %dma_wait3A_148 : memref<1x128x2048xf32, #tpu.memory_space<vmem>> -> memref<128x2048xf32, #tpu.memory_space<vmem>>
      tpu.wait_dma2 semaphore(%arg4 : memref<!tpu.dma_semaphore, #tpu.memory_space<semaphore_mem>>) src(%dma_wait3A_149 : memref<128x2048xf32, #tpu.memory_space<vmem>>) dst(%dma_wait3A_145 : memref<128x2048xf32, #tpu.memory_space<any>>)
      %dma_wait3A_150 = arith.constant 0 : i32
      %dma_wait3A_151 = arith.constant 0 : i32
      %dma_wait3A_152 = arith.constant 1664 : i32
      %dma_wait3A_153 = arith.constant 0 : i32
      %dma_wait3A_154 = tpu.memref_slice %arg2[%dma_wait3A_151, %sub3A_20, %dma_wait3A_152, %dma_wait3A_153] : memref<1x16x2048x2048xf32, #tpu.memory_space<any>> -> memref<1x1x128x2048xf32, #tpu.memory_space<any>>
      %dma_wait3A_155 = tpu.memref_squeeze %dma_wait3A_154 : memref<1x1x128x2048xf32, #tpu.memory_space<any>> -> memref<128x2048xf32, #tpu.memory_space<any>>
      %dma_wait3A_156 = arith.constant 0 : i32
      %dma_wait3A_157 = arith.constant 384 : i32
      %dma_wait3A_158 = tpu.memref_slice %arg3[%dma_wait3A_150, %dma_wait3A_156, %dma_wait3A_157] : memref<2x128x4224xf32, #tpu.memory_space<vmem>> -> memref<1x128x2048xf32, #tpu.memory_space<vmem>>
      %dma_wait3A_159 = tpu.memref_squeeze %dma_wait3A_158 : memref<1x128x2048xf32, #tpu.memory_space<vmem>> -> memref<128x2048xf32, #tpu.memory_space<vmem>>
      tpu.wait_dma2 semaphore(%arg4 : memref<!tpu.dma_semaphore, #tpu.memory_space<semaphore_mem>>) src(%dma_wait3A_159 : memref<128x2048xf32, #tpu.memory_space<vmem>>) dst(%dma_wait3A_155 : memref<128x2048xf32, #tpu.memory_space<any>>)
      %dma_wait3A_160 = arith.constant 0 : i32
      %dma_wait3A_161 = arith.constant 0 : i32
      %dma_wait3A_162 = arith.constant 1792 : i32
      %dma_wait3A_163 = arith.constant 0 : i32
      %dma_wait3A_164 = tpu.memref_slice %arg2[%dma_wait3A_161, %sub3A_20, %dma_wait3A_162, %dma_wait3A_163] : memref<1x16x2048x2048xf32, #tpu.memory_space<any>> -> memref<1x1x128x2048xf32, #tpu.memory_space<any>>
      %dma_wait3A_165 = tpu.memref_squeeze %dma_wait3A_164 : memref<1x1x128x2048xf32, #tpu.memory_space<any>> -> memref<128x2048xf32, #tpu.memory_space<any>>
      %dma_wait3A_166 = arith.constant 0 : i32
      %dma_wait3A_167 = arith.constant 256 : i32
      %dma_wait3A_168 = tpu.memref_slice %arg3[%dma_wait3A_160, %dma_wait3A_166, %dma_wait3A_167] : memref<2x128x4224xf32, #tpu.memory_space<vmem>> -> memref<1x128x2048xf32, #tpu.memory_space<vmem>>
      %dma_wait3A_169 = tpu.memref_squeeze %dma_wait3A_168 : memref<1x128x2048xf32, #tpu.memory_space<vmem>> -> memref<128x2048xf32, #tpu.memory_space<vmem>>
      tpu.wait_dma2 semaphore(%arg4 : memref<!tpu.dma_semaphore, #tpu.memory_space<semaphore_mem>>) src(%dma_wait3A_169 : memref<128x2048xf32, #tpu.memory_space<vmem>>) dst(%dma_wait3A_165 : memref<128x2048xf32, #tpu.memory_space<any>>)
      %dma_wait3A_170 = arith.constant 0 : i32
      %dma_wait3A_171 = arith.constant 0 : i32
      %dma_wait3A_172 = arith.constant 1920 : i32
      %dma_wait3A_173 = arith.constant 0 : i32
      %dma_wait3A_174 = tpu.memref_slice %arg2[%dma_wait3A_171, %sub3A_20, %dma_wait3A_172, %dma_wait3A_173] : memref<1x16x2048x2048xf32, #tpu.memory_space<any>> -> memref<1x1x128x2048xf32, #tpu.memory_space<any>>
      %dma_wait3A_175 = tpu.memref_squeeze %dma_wait3A_174 : memref<1x1x128x2048xf32, #tpu.memory_space<any>> -> memref<128x2048xf32, #tpu.memory_space<any>>
      %dma_wait3A_176 = arith.constant 0 : i32
      %dma_wait3A_177 = arith.constant 128 : i32
      %dma_wait3A_178 = tpu.memref_slice %arg3[%dma_wait3A_170, %dma_wait3A_176, %dma_wait3A_177] : memref<2x128x4224xf32, #tpu.memory_space<vmem>> -> memref<1x128x2048xf32, #tpu.memory_space<vmem>>
      %dma_wait3A_179 = tpu.memref_squeeze %dma_wait3A_178 : memref<1x128x2048xf32, #tpu.memory_space<vmem>> -> memref<128x2048xf32, #tpu.memory_space<vmem>>
      tpu.wait_dma2 semaphore(%arg4 : memref<!tpu.dma_semaphore, #tpu.memory_space<semaphore_mem>>) src(%dma_wait3A_179 : memref<128x2048xf32, #tpu.memory_space<vmem>>) dst(%dma_wait3A_175 : memref<128x2048xf32, #tpu.memory_space<any>>)
      %dma_wait3A_180 = arith.constant 1 : i32
      %dma_wait3A_181 = arith.constant 0 : i32
      %dma_wait3A_182 = arith.constant 0 : i32
      %dma_wait3A_183 = arith.constant 0 : i32
      %dma_wait3A_184 = tpu.memref_slice %arg2[%dma_wait3A_181, %arg0, %dma_wait3A_182, %dma_wait3A_183] : memref<1x16x2048x2048xf32, #tpu.memory_space<any>> -> memref<1x1x128x2048xf32, #tpu.memory_space<any>>
      %dma_wait3A_185 = tpu.memref_squeeze %dma_wait3A_184 : memref<1x1x128x2048xf32, #tpu.memory_space<any>> -> memref<128x2048xf32, #tpu.memory_space<any>>
      %dma_wait3A_186 = arith.constant 0 : i32
      %dma_wait3A_187 = arith.constant 2048 : i32
      %dma_wait3A_188 = tpu.memref_slice %arg3[%dma_wait3A_180, %dma_wait3A_186, %dma_wait3A_187] : memref<2x128x4224xf32, #tpu.memory_space<vmem>> -> memref<1x128x2048xf32, #tpu.memory_space<vmem>>
      %dma_wait3A_189 = tpu.memref_squeeze %dma_wait3A_188 : memref<1x128x2048xf32, #tpu.memory_space<vmem>> -> memref<128x2048xf32, #tpu.memory_space<vmem>>
      tpu.wait_dma2 semaphore(%arg5 : memref<!tpu.dma_semaphore, #tpu.memory_space<semaphore_mem>>) src(%dma_wait3A_189 : memref<128x2048xf32, #tpu.memory_space<vmem>>) dst(%dma_wait3A_185 : memref<128x2048xf32, #tpu.memory_space<any>>)
      %dma_wait3A_190 = arith.constant 1 : i32
      %dma_wait3A_191 = arith.constant 0 : i32
      %dma_wait3A_192 = arith.constant 128 : i32
      %dma_wait3A_193 = arith.constant 0 : i32
      %dma_wait3A_194 = tpu.memref_slice %arg2[%dma_wait3A_191, %arg0, %dma_wait3A_192, %dma_wait3A_193] : memref<1x16x2048x2048xf32, #tpu.memory_space<any>> -> memref<1x1x128x2048xf32, #tpu.memory_space<any>>
      %dma_wait3A_195 = tpu.memref_squeeze %dma_wait3A_194 : memref<1x1x128x2048xf32, #tpu.memory_space<any>> -> memref<128x2048xf32, #tpu.memory_space<any>>
      %dma_wait3A_196 = arith.constant 0 : i32
      %dma_wait3A_197 = arith.constant 1920 : i32
      %dma_wait3A_198 = tpu.memref_slice %arg3[%dma_wait3A_190, %dma_wait3A_196, %dma_wait3A_197] : memref<2x128x4224xf32, #tpu.memory_space<vmem>> -> memref<1x128x2048xf32, #tpu.memory_space<vmem>>
      %dma_wait3A_199 = tpu.memref_squeeze %dma_wait3A_198 : memref<1x128x2048xf32, #tpu.memory_space<vmem>> -> memref<128x2048xf32, #tpu.memory_space<vmem>>
      tpu.wait_dma2 semaphore(%arg5 : memref<!tpu.dma_semaphore, #tpu.memory_space<semaphore_mem>>) src(%dma_wait3A_199 : memref<128x2048xf32, #tpu.memory_space<vmem>>) dst(%dma_wait3A_195 : memref<128x2048xf32, #tpu.memory_space<any>>)
      %dma_wait3A_200 = arith.constant 1 : i32
      %dma_wait3A_201 = arith.constant 0 : i32
      %dma_wait3A_202 = arith.constant 256 : i32
      %dma_wait3A_203 = arith.constant 0 : i32
      %dma_wait3A_204 = tpu.memref_slice %arg2[%dma_wait3A_201, %arg0, %dma_wait3A_202, %dma_wait3A_203] : memref<1x16x2048x2048xf32, #tpu.memory_space<any>> -> memref<1x1x128x2048xf32, #tpu.memory_space<any>>
      %dma_wait3A_205 = tpu.memref_squeeze %dma_wait3A_204 : memref<1x1x128x2048xf32, #tpu.memory_space<any>> -> memref<128x2048xf32, #tpu.memory_space<any>>
      %dma_wait3A_206 = arith.constant 0 : i32
      %dma_wait3A_207 = arith.constant 1792 : i32
      %dma_wait3A_208 = tpu.memref_slice %arg3[%dma_wait3A_200, %dma_wait3A_206, %dma_wait3A_207] : memref<2x128x4224xf32, #tpu.memory_space<vmem>> -> memref<1x128x2048xf32, #tpu.memory_space<vmem>>
      %dma_wait3A_209 = tpu.memref_squeeze %dma_wait3A_208 : memref<1x128x2048xf32, #tpu.memory_space<vmem>> -> memref<128x2048xf32, #tpu.memory_space<vmem>>
      tpu.wait_dma2 semaphore(%arg5 : memref<!tpu.dma_semaphore, #tpu.memory_space<semaphore_mem>>) src(%dma_wait3A_209 : memref<128x2048xf32, #tpu.memory_space<vmem>>) dst(%dma_wait3A_205 : memref<128x2048xf32, #tpu.memory_space<any>>)
      %dma_wait3A_210 = arith.constant 1 : i32
      %dma_wait3A_211 = arith.constant 0 : i32
      %dma_wait3A_212 = arith.constant 384 : i32
      %dma_wait3A_213 = arith.constant 0 : i32
      %dma_wait3A_214 = tpu.memref_slice %arg2[%dma_wait3A_211, %arg0, %dma_wait3A_212, %dma_wait3A_213] : memref<1x16x2048x2048xf32, #tpu.memory_space<any>> -> memref<1x1x128x2048xf32, #tpu.memory_space<any>>
      %dma_wait3A_215 = tpu.memref_squeeze %dma_wait3A_214 : memref<1x1x128x2048xf32, #tpu.memory_space<any>> -> memref<128x2048xf32, #tpu.memory_space<any>>
      %dma_wait3A_216 = arith.constant 0 : i32
      %dma_wait3A_217 = arith.constant 1664 : i32
      %dma_wait3A_218 = tpu.memref_slice %arg3[%dma_wait3A_210, %dma_wait3A_216, %dma_wait3A_217] : memref<2x128x4224xf32, #tpu.memory_space<vmem>> -> memref<1x128x2048xf32, #tpu.memory_space<vmem>>
      %dma_wait3A_219 = tpu.memref_squeeze %dma_wait3A_218 : memref<1x128x2048xf32, #tpu.memory_space<vmem>> -> memref<128x2048xf32, #tpu.memory_space<vmem>>
      tpu.wait_dma2 semaphore(%arg5 : memref<!tpu.dma_semaphore, #tpu.memory_space<semaphore_mem>>) src(%dma_wait3A_219 : memref<128x2048xf32, #tpu.memory_space<vmem>>) dst(%dma_wait3A_215 : memref<128x2048xf32, #tpu.memory_space<any>>)
      %dma_wait3A_220 = arith.constant 1 : i32
      %dma_wait3A_221 = arith.constant 0 : i32
      %dma_wait3A_222 = arith.constant 512 : i32
      %dma_wait3A_223 = arith.constant 0 : i32
      %dma_wait3A_224 = tpu.memref_slice %arg2[%dma_wait3A_221, %arg0, %dma_wait3A_222, %dma_wait3A_223] : memref<1x16x2048x2048xf32, #tpu.memory_space<any>> -> memref<1x1x128x2048xf32, #tpu.memory_space<any>>
      %dma_wait3A_225 = tpu.memref_squeeze %dma_wait3A_224 : memref<1x1x128x2048xf32, #tpu.memory_space<any>> -> memref<128x2048xf32, #tpu.memory_space<any>>
      %dma_wait3A_226 = arith.constant 0 : i32
      %dma_wait3A_227 = arith.constant 1536 : i32
      %dma_wait3A_228 = tpu.memref_slice %arg3[%dma_wait3A_220, %dma_wait3A_226, %dma_wait3A_227] : memref<2x128x4224xf32, #tpu.memory_space<vmem>> -> memref<1x128x2048xf32, #tpu.memory_space<vmem>>
      %dma_wait3A_229 = tpu.memref_squeeze %dma_wait3A_228 : memref<1x128x2048xf32, #tpu.memory_space<vmem>> -> memref<128x2048xf32, #tpu.memory_space<vmem>>
      tpu.wait_dma2 semaphore(%arg5 : memref<!tpu.dma_semaphore, #tpu.memory_space<semaphore_mem>>) src(%dma_wait3A_229 : memref<128x2048xf32, #tpu.memory_space<vmem>>) dst(%dma_wait3A_225 : memref<128x2048xf32, #tpu.memory_space<any>>)
      %dma_wait3A_230 = arith.constant 1 : i32
      %dma_wait3A_231 = arith.constant 0 : i32
      %dma_wait3A_232 = arith.constant 640 : i32
      %dma_wait3A_233 = arith.constant 0 : i32
      %dma_wait3A_234 = tpu.memref_slice %arg2[%dma_wait3A_231, %arg0, %dma_wait3A_232, %dma_wait3A_233] : memref<1x16x2048x2048xf32, #tpu.memory_space<any>> -> memref<1x1x128x2048xf32, #tpu.memory_space<any>>
      %dma_wait3A_235 = tpu.memref_squeeze %dma_wait3A_234 : memref<1x1x128x2048xf32, #tpu.memory_space<any>> -> memref<128x2048xf32, #tpu.memory_space<any>>
      %dma_wait3A_236 = arith.constant 0 : i32
      %dma_wait3A_237 = arith.constant 1408 : i32
      %dma_wait3A_238 = tpu.memref_slice %arg3[%dma_wait3A_230, %dma_wait3A_236, %dma_wait3A_237] : memref<2x128x4224xf32, #tpu.memory_space<vmem>> -> memref<1x128x2048xf32, #tpu.memory_space<vmem>>
      %dma_wait3A_239 = tpu.memref_squeeze %dma_wait3A_238 : memref<1x128x2048xf32, #tpu.memory_space<vmem>> -> memref<128x2048xf32, #tpu.memory_space<vmem>>
      tpu.wait_dma2 semaphore(%arg5 : memref<!tpu.dma_semaphore, #tpu.memory_space<semaphore_mem>>) src(%dma_wait3A_239 : memref<128x2048xf32, #tpu.memory_space<vmem>>) dst(%dma_wait3A_235 : memref<128x2048xf32, #tpu.memory_space<any>>)
      %dma_wait3A_240 = arith.constant 1 : i32
      %dma_wait3A_241 = arith.constant 0 : i32
      %dma_wait3A_242 = arith.constant 768 : i32
      %dma_wait3A_243 = arith.constant 0 : i32
      %dma_wait3A_244 = tpu.memref_slice %arg2[%dma_wait3A_241, %arg0, %dma_wait3A_242, %dma_wait3A_243] : memref<1x16x2048x2048xf32, #tpu.memory_space<any>> -> memref<1x1x128x2048xf32, #tpu.memory_space<any>>
      %dma_wait3A_245 = tpu.memref_squeeze %dma_wait3A_244 : memref<1x1x128x2048xf32, #tpu.memory_space<any>> -> memref<128x2048xf32, #tpu.memory_space<any>>
      %dma_wait3A_246 = arith.constant 0 : i32
      %dma_wait3A_247 = arith.constant 1280 : i32
      %dma_wait3A_248 = tpu.memref_slice %arg3[%dma_wait3A_240, %dma_wait3A_246, %dma_wait3A_247] : memref<2x128x4224xf32, #tpu.memory_space<vmem>> -> memref<1x128x2048xf32, #tpu.memory_space<vmem>>
      %dma_wait3A_249 = tpu.memref_squeeze %dma_wait3A_248 : memref<1x128x2048xf32, #tpu.memory_space<vmem>> -> memref<128x2048xf32, #tpu.memory_space<vmem>>
      tpu.wait_dma2 semaphore(%arg5 : memref<!tpu.dma_semaphore, #tpu.memory_space<semaphore_mem>>) src(%dma_wait3A_249 : memref<128x2048xf32, #tpu.memory_space<vmem>>) dst(%dma_wait3A_245 : memref<128x2048xf32, #tpu.memory_space<any>>)
      %dma_wait3A_250 = arith.constant 1 : i32
      %dma_wait3A_251 = arith.constant 0 : i32
      %dma_wait3A_252 = arith.constant 896 : i32
      %dma_wait3A_253 = arith.constant 0 : i32
      %dma_wait3A_254 = tpu.memref_slice %arg2[%dma_wait3A_251, %arg0, %dma_wait3A_252, %dma_wait3A_253] : memref<1x16x2048x2048xf32, #tpu.memory_space<any>> -> memref<1x1x128x2048xf32, #tpu.memory_space<any>>
      %dma_wait3A_255 = tpu.memref_squeeze %dma_wait3A_254 : memref<1x1x128x2048xf32, #tpu.memory_space<any>> -> memref<128x2048xf32, #tpu.memory_space<any>>
      %dma_wait3A_256 = arith.constant 0 : i32
      %dma_wait3A_257 = arith.constant 1152 : i32
      %dma_wait3A_258 = tpu.memref_slice %arg3[%dma_wait3A_250, %dma_wait3A_256, %dma_wait3A_257] : memref<2x128x4224xf32, #tpu.memory_space<vmem>> -> memref<1x128x2048xf32, #tpu.memory_space<vmem>>
      %dma_wait3A_259 = tpu.memref_squeeze %dma_wait3A_258 : memref<1x128x2048xf32, #tpu.memory_space<vmem>> -> memref<128x2048xf32, #tpu.memory_space<vmem>>
      tpu.wait_dma2 semaphore(%arg5 : memref<!tpu.dma_semaphore, #tpu.memory_space<semaphore_mem>>) src(%dma_wait3A_259 : memref<128x2048xf32, #tpu.memory_space<vmem>>) dst(%dma_wait3A_255 : memref<128x2048xf32, #tpu.memory_space<any>>)
      %dma_wait3A_260 = arith.constant 1 : i32
      %dma_wait3A_261 = arith.constant 0 : i32
      %dma_wait3A_262 = arith.constant 1024 : i32
      %dma_wait3A_263 = arith.constant 0 : i32
      %dma_wait3A_264 = tpu.memref_slice %arg2[%dma_wait3A_261, %arg0, %dma_wait3A_262, %dma_wait3A_263] : memref<1x16x2048x2048xf32, #tpu.memory_space<any>> -> memref<1x1x128x2048xf32, #tpu.memory_space<any>>
      %dma_wait3A_265 = tpu.memref_squeeze %dma_wait3A_264 : memref<1x1x128x2048xf32, #tpu.memory_space<any>> -> memref<128x2048xf32, #tpu.memory_space<any>>
      %dma_wait3A_266 = arith.constant 0 : i32
      %dma_wait3A_267 = arith.constant 1024 : i32
      %dma_wait3A_268 = tpu.memref_slice %arg3[%dma_wait3A_260, %dma_wait3A_266, %dma_wait3A_267] : memref<2x128x4224xf32, #tpu.memory_space<vmem>> -> memref<1x128x2048xf32, #tpu.memory_space<vmem>>
      %dma_wait3A_269 = tpu.memref_squeeze %dma_wait3A_268 : memref<1x128x2048xf32, #tpu.memory_space<vmem>> -> memref<128x2048xf32, #tpu.memory_space<vmem>>
      tpu.wait_dma2 semaphore(%arg5 : memref<!tpu.dma_semaphore, #tpu.memory_space<semaphore_mem>>) src(%dma_wait3A_269 : memref<128x2048xf32, #tpu.memory_space<vmem>>) dst(%dma_wait3A_265 : memref<128x2048xf32, #tpu.memory_space<any>>)
      %dma_wait3A_270 = arith.constant 1 : i32
      %dma_wait3A_271 = arith.constant 0 : i32
      %dma_wait3A_272 = arith.constant 1152 : i32
      %dma_wait3A_273 = arith.constant 0 : i32
      %dma_wait3A_274 = tpu.memref_slice %arg2[%dma_wait3A_271, %arg0, %dma_wait3A_272, %dma_wait3A_273] : memref<1x16x2048x2048xf32, #tpu.memory_space<any>> -> memref<1x1x128x2048xf32, #tpu.memory_space<any>>
      %dma_wait3A_275 = tpu.memref_squeeze %dma_wait3A_274 : memref<1x1x128x2048xf32, #tpu.memory_space<any>> -> memref<128x2048xf32, #tpu.memory_space<any>>
      %dma_wait3A_276 = arith.constant 0 : i32
      %dma_wait3A_277 = arith.constant 896 : i32
      %dma_wait3A_278 = tpu.memref_slice %arg3[%dma_wait3A_270, %dma_wait3A_276, %dma_wait3A_277] : memref<2x128x4224xf32, #tpu.memory_space<vmem>> -> memref<1x128x2048xf32, #tpu.memory_space<vmem>>
      %dma_wait3A_279 = tpu.memref_squeeze %dma_wait3A_278 : memref<1x128x2048xf32, #tpu.memory_space<vmem>> -> memref<128x2048xf32, #tpu.memory_space<vmem>>
      tpu.wait_dma2 semaphore(%arg5 : memref<!tpu.dma_semaphore, #tpu.memory_space<semaphore_mem>>) src(%dma_wait3A_279 : memref<128x2048xf32, #tpu.memory_space<vmem>>) dst(%dma_wait3A_275 : memref<128x2048xf32, #tpu.memory_space<any>>)
      %dma_wait3A_280 = arith.constant 1 : i32
      %dma_wait3A_281 = arith.constant 0 : i32
      %dma_wait3A_282 = arith.constant 1280 : i32
      %dma_wait3A_283 = arith.constant 0 : i32
      %dma_wait3A_284 = tpu.memref_slice %arg2[%dma_wait3A_281, %arg0, %dma_wait3A_282, %dma_wait3A_283] : memref<1x16x2048x2048xf32, #tpu.memory_space<any>> -> memref<1x1x128x2048xf32, #tpu.memory_space<any>>
      %dma_wait3A_285 = tpu.memref_squeeze %dma_wait3A_284 : memref<1x1x128x2048xf32, #tpu.memory_space<any>> -> memref<128x2048xf32, #tpu.memory_space<any>>
      %dma_wait3A_286 = arith.constant 0 : i32
      %dma_wait3A_287 = arith.constant 768 : i32
      %dma_wait3A_288 = tpu.memref_slice %arg3[%dma_wait3A_280, %dma_wait3A_286, %dma_wait3A_287] : memref<2x128x4224xf32, #tpu.memory_space<vmem>> -> memref<1x128x2048xf32, #tpu.memory_space<vmem>>
      %dma_wait3A_289 = tpu.memref_squeeze %dma_wait3A_288 : memref<1x128x2048xf32, #tpu.memory_space<vmem>> -> memref<128x2048xf32, #tpu.memory_space<vmem>>
      tpu.wait_dma2 semaphore(%arg5 : memref<!tpu.dma_semaphore, #tpu.memory_space<semaphore_mem>>) src(%dma_wait3A_289 : memref<128x2048xf32, #tpu.memory_space<vmem>>) dst(%dma_wait3A_285 : memref<128x2048xf32, #tpu.memory_space<any>>)
      %dma_wait3A_290 = arith.constant 1 : i32
      %dma_wait3A_291 = arith.constant 0 : i32
      %dma_wait3A_292 = arith.constant 1408 : i32
      %dma_wait3A_293 = arith.constant 0 : i32
      %dma_wait3A_294 = tpu.memref_slice %arg2[%dma_wait3A_291, %arg0, %dma_wait3A_292, %dma_wait3A_293] : memref<1x16x2048x2048xf32, #tpu.memory_space<any>> -> memref<1x1x128x2048xf32, #tpu.memory_space<any>>
      %dma_wait3A_295 = tpu.memref_squeeze %dma_wait3A_294 : memref<1x1x128x2048xf32, #tpu.memory_space<any>> -> memref<128x2048xf32, #tpu.memory_space<any>>
      %dma_wait3A_296 = arith.constant 0 : i32
      %dma_wait3A_297 = arith.constant 640 : i32
      %dma_wait3A_298 = tpu.memref_slice %arg3[%dma_wait3A_290, %dma_wait3A_296, %dma_wait3A_297] : memref<2x128x4224xf32, #tpu.memory_space<vmem>> -> memref<1x128x2048xf32, #tpu.memory_space<vmem>>
      %dma_wait3A_299 = tpu.memref_squeeze %dma_wait3A_298 : memref<1x128x2048xf32, #tpu.memory_space<vmem>> -> memref<128x2048xf32, #tpu.memory_space<vmem>>
      tpu.wait_dma2 semaphore(%arg5 : memref<!tpu.dma_semaphore, #tpu.memory_space<semaphore_mem>>) src(%dma_wait3A_299 : memref<128x2048xf32, #tpu.memory_space<vmem>>) dst(%dma_wait3A_295 : memref<128x2048xf32, #tpu.memory_space<any>>)
      %dma_wait3A_300 = arith.constant 1 : i32
      %dma_wait3A_301 = arith.constant 0 : i32
      %dma_wait3A_302 = arith.constant 1536 : i32
      %dma_wait3A_303 = arith.constant 0 : i32
      %dma_wait3A_304 = tpu.memref_slice %arg2[%dma_wait3A_301, %arg0, %dma_wait3A_302, %dma_wait3A_303] : memref<1x16x2048x2048xf32, #tpu.memory_space<any>> -> memref<1x1x128x2048xf32, #tpu.memory_space<any>>
      %dma_wait3A_305 = tpu.memref_squeeze %dma_wait3A_304 : memref<1x1x128x2048xf32, #tpu.memory_space<any>> -> memref<128x2048xf32, #tpu.memory_space<any>>
      %dma_wait3A_306 = arith.constant 0 : i32
      %dma_wait3A_307 = arith.constant 512 : i32
      %dma_wait3A_308 = tpu.memref_slice %arg3[%dma_wait3A_300, %dma_wait3A_306, %dma_wait3A_307] : memref<2x128x4224xf32, #tpu.memory_space<vmem>> -> memref<1x128x2048xf32, #tpu.memory_space<vmem>>
      %dma_wait3A_309 = tpu.memref_squeeze %dma_wait3A_308 : memref<1x128x2048xf32, #tpu.memory_space<vmem>> -> memref<128x2048xf32, #tpu.memory_space<vmem>>
      tpu.wait_dma2 semaphore(%arg5 : memref<!tpu.dma_semaphore, #tpu.memory_space<semaphore_mem>>) src(%dma_wait3A_309 : memref<128x2048xf32, #tpu.memory_space<vmem>>) dst(%dma_wait3A_305 : memref<128x2048xf32, #tpu.memory_space<any>>)
      %dma_wait3A_310 = arith.constant 1 : i32
      %dma_wait3A_311 = arith.constant 0 : i32
      %dma_wait3A_312 = arith.constant 1664 : i32
      %dma_wait3A_313 = arith.constant 0 : i32
      %dma_wait3A_314 = tpu.memref_slice %arg2[%dma_wait3A_311, %arg0, %dma_wait3A_312, %dma_wait3A_313] : memref<1x16x2048x2048xf32, #tpu.memory_space<any>> -> memref<1x1x128x2048xf32, #tpu.memory_space<any>>
      %dma_wait3A_315 = tpu.memref_squeeze %dma_wait3A_314 : memref<1x1x128x2048xf32, #tpu.memory_space<any>> -> memref<128x2048xf32, #tpu.memory_space<any>>
      %dma_wait3A_316 = arith.constant 0 : i32
      %dma_wait3A_317 = arith.constant 384 : i32
      %dma_wait3A_318 = tpu.memref_slice %arg3[%dma_wait3A_310, %dma_wait3A_316, %dma_wait3A_317] : memref<2x128x4224xf32, #tpu.memory_space<vmem>> -> memref<1x128x2048xf32, #tpu.memory_space<vmem>>
      %dma_wait3A_319 = tpu.memref_squeeze %dma_wait3A_318 : memref<1x128x2048xf32, #tpu.memory_space<vmem>> -> memref<128x2048xf32, #tpu.memory_space<vmem>>
      tpu.wait_dma2 semaphore(%arg5 : memref<!tpu.dma_semaphore, #tpu.memory_space<semaphore_mem>>) src(%dma_wait3A_319 : memref<128x2048xf32, #tpu.memory_space<vmem>>) dst(%dma_wait3A_315 : memref<128x2048xf32, #tpu.memory_space<any>>)
      %dma_wait3A_320 = arith.constant 1 : i32
      %dma_wait3A_321 = arith.constant 0 : i32
      %dma_wait3A_322 = arith.constant 1792 : i32
      %dma_wait3A_323 = arith.constant 0 : i32
      %dma_wait3A_324 = tpu.memref_slice %arg2[%dma_wait3A_321, %arg0, %dma_wait3A_322, %dma_wait3A_323] : memref<1x16x2048x2048xf32, #tpu.memory_space<any>> -> memref<1x1x128x2048xf32, #tpu.memory_space<any>>
      %dma_wait3A_325 = tpu.memref_squeeze %dma_wait3A_324 : memref<1x1x128x2048xf32, #tpu.memory_space<any>> -> memref<128x2048xf32, #tpu.memory_space<any>>
      %dma_wait3A_326 = arith.constant 0 : i32
      %dma_wait3A_327 = arith.constant 256 : i32
      %dma_wait3A_328 = tpu.memref_slice %arg3[%dma_wait3A_320, %dma_wait3A_326, %dma_wait3A_327] : memref<2x128x4224xf32, #tpu.memory_space<vmem>> -> memref<1x128x2048xf32, #tpu.memory_space<vmem>>
      %dma_wait3A_329 = tpu.memref_squeeze %dma_wait3A_328 : memref<1x128x2048xf32, #tpu.memory_space<vmem>> -> memref<128x2048xf32, #tpu.memory_space<vmem>>
      tpu.wait_dma2 semaphore(%arg5 : memref<!tpu.dma_semaphore, #tpu.memory_space<semaphore_mem>>) src(%dma_wait3A_329 : memref<128x2048xf32, #tpu.memory_space<vmem>>) dst(%dma_wait3A_325 : memref<128x2048xf32, #tpu.memory_space<any>>)
      %dma_wait3A_330 = arith.constant 1 : i32
      %dma_wait3A_331 = arith.constant 0 : i32
      %dma_wait3A_332 = arith.constant 1920 : i32
      %dma_wait3A_333 = arith.constant 0 : i32
      %dma_wait3A_334 = tpu.memref_slice %arg2[%dma_wait3A_331, %arg0, %dma_wait3A_332, %dma_wait3A_333] : memref<1x16x2048x2048xf32, #tpu.memory_space<any>> -> memref<1x1x128x2048xf32, #tpu.memory_space<any>>
      %dma_wait3A_335 = tpu.memref_squeeze %dma_wait3A_334 : memref<1x1x128x2048xf32, #tpu.memory_space<any>> -> memref<128x2048xf32, #tpu.memory_space<any>>
      %dma_wait3A_336 = arith.constant 0 : i32
      %dma_wait3A_337 = arith.constant 128 : i32
      %dma_wait3A_338 = tpu.memref_slice %arg3[%dma_wait3A_330, %dma_wait3A_336, %dma_wait3A_337] : memref<2x128x4224xf32, #tpu.memory_space<vmem>> -> memref<1x128x2048xf32, #tpu.memory_space<vmem>>
      %dma_wait3A_339 = tpu.memref_squeeze %dma_wait3A_338 : memref<1x128x2048xf32, #tpu.memory_space<vmem>> -> memref<128x2048xf32, #tpu.memory_space<vmem>>
      tpu.wait_dma2 semaphore(%arg5 : memref<!tpu.dma_semaphore, #tpu.memory_space<semaphore_mem>>) src(%dma_wait3A_339 : memref<128x2048xf32, #tpu.memory_space<vmem>>) dst(%dma_wait3A_335 : memref<128x2048xf32, #tpu.memory_space<any>>)
    } else {
    }
    return
  }
  func.func @transform_0(%arg0: i32) -> (i32, i32, i32) {
    %c0_i32 = arith.constant 0 : i32
    %c0_i32_0 = arith.constant 0 : i32
    %c0_i32_1 = arith.constant 0 : i32
    return %arg0, %c0_i32, %c0_i32_0 : i32, i32, i32
  }
}

</mosaic_0001>

<sc_bundles>
// kernel: kernel.4.cloned.1.call-start
scs
__scs_entry_jumppad:
0x0: {  	(pc) =	sbr.rel $0x88, $3  }
0x1: {  	(tag) =	ssettag $0x0;
	lr =	simm.s32 $0x1  }
0x2: {  	[smem:$0x3F9E] =	sst lr;
	_ =	strace $0xD0000000  }
0x3: {  	_ = 	snop  }
0x4: {  	_ = 	snop  }
0x5: {  	_ = 	snop  }
0x6: {  	_ = 	snop  }
0x7: {  	_ = 	snop  }
__scs_overlays_trampoline_lowered:
0x8: {  	[smem:$0x3FAD] =	sst s0  }
0x9: {  	[smem:$0x3FAE] =	sst s1  }
0xa: {  	[smem:$0x3FAF] =	sst s2  }
0xb: {  	[smem:$0x3FB0] =	sst s3  }
0xc: {  	[smem:$0x3FB1] =	sst s4  }
0xd: {  	[smem:$0x3FB2] =	sst s5  }
0xe: {  	[smem:$0x3FB3] =	sst s6  }
0xf: {  	[smem:$0x3FB4] =	sst s7  }
0x10: {  	[smem:$0x3FB5] =	sst s8  }
0x11: {  	[smem:$0x3FB6] =	sst s9;
	s0 =	simm.s32 @!p0 $0x0  }
0x12: {  	s1 =	sld [smem:$0x3F9C];
	s0 =	simm.s32 @p0 $0x1  }
0x13: {  	[smem:$0x3FB7] =	sst s0;
	s0 =	simm.s32 @!p1 $0x0  }
0x14: {  	s2 =	sld [smem:$0x3F9B];
	s0 =	simm.s32 @p1 $0x1  }
0x15: {  	[smem:$0x3FB8] =	sst s0;
	s0 =	simm.s32 @!p2 $0x0  }
0x16: {  	s3 =	sld [smem:$0x3FDB];
	s0 =	simm.s32 @p2 $0x1  }
0x17: {  	s4 =	simm.s32 $0x1BF5;
	[smem:$0x3FBA] =	sst s0  }
0x18: {  	s0 =	sld [smem:$0x3F9D];
	_ =	swait.ge [sflag:s4], $0x0  }
0x19: {  	s7 =	sld [smem:$0x3F9E]  }
0x1a: {  	s8 =	sadd.s32 $0xFFFFE003, lr  }
0x1b: {  	s9 =	sadd.s32 $0xFFFFFEF7, lr;
	s5 =	simm.s32 $0xFFFFFFFF;
	p2 =	slt.u32 s8, $0xFFFFF086  }
0x1c: {  	p1 =	slt.u32 s9, $0xF7A;
	s5 =	simm.s32 @!p2 $0x0  }
0x1d: {  	s5 =	simm.s32 @p1 $0x1;
	p0 =	seq.s32 s7, s2  }
0x1e: {  	s7 =	smul.u32 @!p0 $0xF7A, s2;
	p2 =	seq.s32 @!p0 s5, $0x0  }
0x1f: {  	s9 =	smul.u32 $0xF7A, s1;
	s8 =	simm.s32 @!p0 $0x1BF5;
	p2 =	por !p2, p0  }
0x20: {  	[sflag:s8] =	ssyncset.s32 @!p0 $0xFFFFF086;
	s6 =	sadd.s32 @!p0 s3, s7;
	s7 =	simm.s32 @!p0 $0x108  }
0x21: {  	s3 =	sadd.s32 s3, s9;
	s6 =	sadd.s32 @!p0 $0x88, s6;
	s7 =	simm.s32 @p2 $0x1082  }
0x22: {  	[simem:s7], [sflag:s8] =	dma.local @!p0 [hbm:s6], $0xF7A  }
0x23: {  	s9 =	sor.u32 $0xD0000000, s2;
	s6 =	simm.s32 $0x108;
	_ =	swait.ge @!p0 [sflag:s8], $0x0  }
0x24: {  	s3 =	sadd.s32 $0x88, s3;
	s6 =	simm.s32 @!p1 $0x1082;
	[sflag:s4] =	ssyncset.s32 $0xFFFFF086  }
0x25: {  	[simem:s6], [sflag:s4] =	dma.local [hbm:s3], $0xF7A  }
0x26: {  	[smem:$0x3F9E] =	sst s1;
	(tag) =	ssettag s2;
	_ =	strace s9  }
0x27: {  	s1 =	sld [smem:$0x3FAE]  }
0x28: {  	s2 =	sld [smem:$0x3FAF]  }
0x29: {  	s4 =	sld [smem:$0x3FB1]  }
0x2a: {  	p0 =	seq.s32 s5, $0x0;
	s5 =	sld [smem:$0x3FB2]  }
0x2b: {  	s6 =	sld [smem:$0x3FB3]  }
0x2c: {  	s7 =	sld [smem:$0x3FB4]  }
0x2d: {  	s3 =	simm.s32 $0x108;
	s8 =	sld [smem:$0x3FB5]  }
0x2e: {  	s3 =	simm.s32 @!p0 $0x1082;
	s9 =	sld [smem:$0x3FB6]  }
0x2f: {  	lr =	sadd.s32 s0, s3;
	s0 =	sld [smem:$0x3FAD]  }
0x30: {  	s3 =	sld [smem:$0x3FB0]  }
0x31: {  	[smem:$0x3FB9] =	sst s10  }
0x32: {  	s10 =	sld [smem:$0x3FB7];
	_ =	sdelay $0x3  }
0x33: {  	p0 =	seq.s32 s10, $0x1;
	s10 =	sld [smem:$0x3FB9];
	_ =	sdelay $0x3  }
0x34: {  	[smem:$0x3FB9] =	sst s10  }
0x35: {  	s10 =	sld [smem:$0x3FB8];
	_ =	sdelay $0x3  }
0x36: {  	p1 =	seq.s32 s10, $0x1;
	s10 =	sld [smem:$0x3FB9];
	_ =	sdelay $0x3  }
0x37: {  	[smem:$0x3FB9] =	sst s10  }
0x38: {  	s10 =	sld [smem:$0x3FBA]  }
0x39: {  	_ = 	snop;
	(pc) =	sbr.ind lr, $3  }
0x3a: {  	_ = 	snop  }
0x3b: {  	_ = 	snop  }
0x3c: {  	p2 =	seq.s32 s10, $0x1;
	s10 =	sld [smem:$0x3FB9]  }
0x3d: {  	_ =	shalt  }
0x3e: {  	_ =	shalt  }
0x3f: {  	_ =	shalt  }
0x40: {  	_ =	shalt  }
0x41: {  	_ =	shalt  }
0x42: {  	_ =	shalt  }
0x43: {  	_ =	shalt  }
0x44: {  	_ =	shalt  }
0x45: {  	_ =	shalt  }
0x46: {  	_ =	shalt  }
0x47: {  	_ =	shalt  }
0x48: {  	_ =	shalt  }
0x49: {  	_ =	shalt  }
0x4a: {  	_ =	shalt  }
0x4b: {  	_ =	shalt  }
0x4c: {  	_ =	shalt  }
0x4d: {  	_ =	shalt  }
0x4e: {  	_ =	shalt  }
0x4f: {  	_ =	shalt  }
0x50: {  	_ =	shalt  }
0x51: {  	_ =	shalt  }
0x52: {  	_ =	shalt  }
0x53: {  	_ =	shalt  }
0x54: {  	_ =	shalt  }
0x55: {  	_ =	shalt  }
0x56: {  	_ =	shalt  }
0x57: {  	_ =	shalt  }
0x58: {  	_ =	shalt  }
0x59: {  	_ =	shalt  }
0x5a: {  	_ =	shalt  }
0x5b: {  	_ =	shalt  }
0x5c: {  	_ =	shalt  }
0x5d: {  	_ =	shalt  }
0x5e: {  	_ =	shalt  }
0x5f: {  	_ =	shalt  }
0x60: {  	_ =	shalt  }
0x61: {  	_ =	shalt  }
0x62: {  	_ =	shalt  }
0x63: {  	_ =	shalt  }
0x64: {  	_ =	shalt  }
0x65: {  	_ =	shalt  }
0x66: {  	_ =	shalt  }
0x67: {  	_ =	shalt  }
0x68: {  	_ =	shalt  }
0x69: {  	_ =	shalt  }
0x6a: {  	_ =	shalt  }
0x6b: {  	_ =	shalt  }
0x6c: {  	_ =	shalt  }
0x6d: {  	_ =	shalt  }
0x6e: {  	_ =	shalt  }
0x6f: {  	_ =	shalt  }
0x70: {  	_ =	shalt  }
0x71: {  	_ =	shalt  }
0x72: {  	_ =	shalt  }
0x73: {  	_ =	shalt  }
0x74: {  	_ =	shalt  }
0x75: {  	_ =	shalt  }
0x76: {  	_ =	shalt  }
0x77: {  	_ =	shalt  }
0x78: {  	_ =	shalt  }
0x79: {  	_ =	shalt  }
0x7a: {  	_ =	shalt  }
0x7b: {  	_ =	shalt  }
0x7c: {  	_ =	shalt  }
0x7d: {  	_ =	shalt  }
0x7e: {  	_ =	shalt  }
0x7f: {  	_ =	shalt  }
0x80: {  	_ =	shalt  }
0x81: {  	_ =	shalt  }
0x82: {  	_ =	shalt  }
0x83: {  	_ =	shalt  }
0x84: {  	_ =	shalt  }
0x85: {  	_ =	shalt  }
0x86: {  	_ =	shalt  }
0x87: {  	_ =	shalt  }
.Lfunc_end0:
.L_simem_size_0:
called_computation_lowered:
.L_overlay_start_0:
0x88: {  	s2 =	sld [smem:$0x3FD9]  }
0x89: {  	s3 =	sld [smem:$0x3FFE];
	_ =	sdelay $0x1  }
0x8a: {  	s1 =	srdreg.scid  }
0x8b: {  	s0 =	sand.u32 $0x1, s1  }
0x8c: {  	s17 =	sshll.u32 s0, $0xA;
	s2 =	sadd.s32 s3, s2  }
0x8d: {  	s2 =	sadd.s32 s2, s17  }
0x8e: {  	[smem:$0x3FC5] =	sst s2  }
0x8f: {  	_ = 	snop  }
0x90: {  	s2 =	sld [smem:$0x3FD0];
	(tm) =	ssettm $0x1  }
0x91: {  	s18 =	sld [smem:$0x3FFB];
	_ =	sdelay $0x3  }
0x92: {  	_ =	strace s18  }
0x93: {  	s3 =	sld [smem:$0x3FFC];
	_ =	sdelay $0x3  }
0x94: {  	_ =	strace s3  }
0x95: {  	s3 =	sld [smem:$0x3FFD];
	_ =	sdelay $0x3  }
0x96: {  	_ =	strace s3  }
0x97: {  	_ =	strace $0x8FFFFFFF  }
0x98: {  	s19 =	sld [smem:$0x3FDB];
	_ =	sdelay $0x1  }
0x99: {  	s4 =	simm.s32 $_scs_section_size  }
0x9a: {  	s5 =	simm.s32 $_size__tile_overlayer_lowered;
	s6 =	simm.s32 $_tile_overlayer_lowered  }
0x9b: {  	s22 =	simm.s32 $0x1BFF;
	s21 =	sshll.u32 s6, $0x1;
	s3 =	sadd.s32 s4, s19  }
0x9c: {  	s7 =	simm.s32 $0x0;
	s20 =	sshll.u32 s5, $0x1;
	s5 =	sadd.s32 s21, s3  }
0x9d: {  	[timem:s7], [sflag:s22] =	dma.local [hbm:s5], s20  }
0x9e: {  	_ =	swait.ge [sflag:s22], s20  }
0x9f: {  	s4 =	ssub.s32 $0x0, s20;
	[sflag:s22] =	ssyncset.done $0x0  }
0xa0: {  	[sflag:s22] =	ssyncadd.s32 s4;
	_ =	sdelay $0x1  }
0xa1: {  	s23 =	simm.s32 $0x1B8B  }
0xa2: {  	_ =	swait.ge [sflag:s23], $0x1  }
0xa3: {  	[sflag:s23] =	ssyncset.done $0x0  }
0xa4: {  	s25 =	simm.s32 $0x1B8E;
	s24 =	sld [smem:$0x3FFE];
	[sflag:s23] =	ssyncadd.s32 $0xFFFFFFFF  }
0xa5: {  	s26 =	simm.s32 $execute0_lowered;
	[smem:$0x3FD2] =	sst s25  }
0xa6: {  	s5 =	sshll.u32 s26, $0x1;
	_ =	strace $0x80000046;
	[dreg:$0x1] =	wrdreg $0xFFFFFFFF  }
0xa7: {  	s28 =	simm.s32 $_size_execute0_lowered;
	s3 =	sadd.s32 s3, s5;
	[dreg:$0x0] =	wrdreg $0x0  }
0xa8: {  	s5 =	sshll.u32 s28, $0x1;
	[dreg:$0x2] =	wrdreg s3  }
0xa9: {  	[dreg:$0x3] =	wrdreg s5  }
0xaa: {  	[dreg:$0x4] =	wrdreg $0xC0  }
0xab: {  	_ =	task [dreg:s7], $0x5FFFF  }
0xac: {  	[dreg:$0x1] =	wrdreg $0xFFFFFFFF  }
0xad: {  	[dreg:$0x0] =	wrdreg $0x60  }
0xae: {  	[dreg:$0x2] =	wrdreg s24  }
0xaf: {  	[dreg:$0x3] =	wrdreg s2  }
0xb0: {  	[dreg:$0x4] =	wrdreg $0x9  }
0xb1: {  	_ =	task.clear_ibuf [dreg:s7], $0x5FFFF;
	_ =	strace $0x90000046  }
0xb2: {  	s29 =	simm.s32 $0x9;
	_ =	strace $0x80000048  }
0xb3: {  	_ =	swait.ge [sflag:s29], $0x1  }
0xb4: {  	[sflag:s29] =	ssyncadd.s32 $0xFFFFFFFF  }
0xb5: {  	_ =	strace $0x90000048  }
0xb6: {  	_ =	sfence  }
0xb7: {  	s30 =	sld [smem:$0x0];
	_ =	sdelay $0x2  }
0xb8: {  	s31 =	sshll.u32 s1, $0xD;
	s1 =	sshrl.u32 s1, $0x2  }
0xb9: {  	s3 =	sand.u32 $0x4000, s31;
	s1 =	sadd.s32 s1, s30  }
0xba: {  	s0 =	sor.u32 s3, s0;
	s1 =	sshll.u32 s1, $0x11  }
0xbb: {  	s0 =	sor.u32 s1, s0  }
0xbc: {  	s0 =	sadd.s32 $0x8F2B, s0  }
0xbd: {  	[sflag:s0] =	ssyncadd.remote.s32 $0x1  }
0xbe: {  	_ =	sfence.sel $0xFFFF  }
0xbf: {  	[dreg:$0x0] =	wrdreg $0xFFFFFFFF;
	(pc) =	sbr.abs _section_cstart, $3  }
0xc0: {  	[dreg:$0x1] =	wrdreg $0xFFFFFFFF  }
0xc1: {  	_ =	task.clear_ibuf [dreg:s7], $0x2FFFF;
	_ =	strace $0x9FFFFFFF  }
0xc2: {  	(tm) =	ssettm $0x7FFFFFFF  }
0xc3: {  	_ =	shalt  }
tec
execute0_lowered:
.L_overlay_start_1:
0x0: {  	(tag) =	ssettag $0x1  }
0x1: {  	s1 =	srdreg.scid  }
0x2: {  	s0 =	stileid.u32;
	s4 =	sand.u32 $0x1, s1  }
0x3: {  	s1 =	sor.u32 s4, s0  }
0x4: {  	p0 =	seq.s32 s4, $0x1;
	p1 =	seq.s32 s1, $0x0  }
0x5: {  	s5 =	rddreg [dreg:$0x0];
	s3 =	simm.s32 $0x1;
	p1 =	por !p1, !p0  }
0x6: {  	s7 =	rddreg [dreg:$0x1];
	s2 =	simm.s32 $0x0;
	p1 =	por !p1, !p1  }
0x7: {  	s11 =	simm.s32 $0x0;
	[smem:$0x7FF] =	sst s2;
	s3 =	simm.s32 @!p1 $0x0  }
0x8: {  	s9 =	ssub.s32 $0x2, s4;
	s4 =	sadd.s32 $0x600, s5;
	s8 =	ssub.s32 s0, s3  }
0x9: {  	s5 =	sadd.s32 $0x800, s5;
	s3 =	simm.s32 $0x840;
	s6 =	smul.u32 $0x1080, s8  }
0xa: {  	s1 =	rddreg [dreg:$0x2];
	s10 =	sshrl.u32 s9, $0x1;
	s3 =	simm.s32 @!p0 $0x0  }
0xb: {  	_ =	strace $0x80000047;
	s9 =	ssub.s32 s9, s10;
	s6 =	sadd.s32 s3, s6  }
0xc: {  	v1 =	vlaneseq.u32;
	s10 =	simm.s32 $0x280;
	v0 =	vmov s8;
	s8 =	smax.u32 s9, $0x1;
	s31 =	sshrl.u32 s6, $0x3  }
0xd: {  	v2 =	vimm.s32 $0x10;
	v3 =	vimm.s32 $0x0;
	v1 =	vor.u32 $0xFFFFF800, v1;
	s9 =	simm.s32 $0x200;
	s6 =	simm.s32 $0x1;
	s7 =	sadd.s32 s7, s31  }
.LBB2_1:
0xe: {  	[tilespmem:s2], [sflag:$0x1] =	stream.linear.gather [hbm4b:s4+s2], $0x200, $0x38;
	[tilespmem:$0xB00] =	vst v63  }
0xf: {  	_ =	swait.ge [sflag:s6], $0x200  }
0x10: {  	[sflag:s6] =	ssyncset.done $0x0  }
0x11: {  	[sflag:s6] =	ssyncadd.s32 $0xFFFFFE00  }
0x12: {  	[tilespmem:s9], [sflag:$0x1] =	stream.linear.gather [hbm4b:s5+s2], $0x80, $0x38;
	[tilespmem:$0xB00] =	vst v63  }
0x13: {  	_ =	swait.ge [sflag:s6], $0x80  }
0x14: {  	[sflag:s6] =	ssyncset.done $0x0  }
0x15: {  	[sflag:s6] =	ssyncadd.s32 $0xFFFFFF80  }
0x16: {  	v4 =	vld [tilespmem:$0x200];
	_ =	sdelay $0x4  }
0x17: {  	v5 =	vmov s3;
	v4 =	vadd.s32 v1, v4  }
0x18: {  	v5 =	vadd.s32 v5, v4  }
0x19: {  	v6 =	vsub.s32 $0x0, v5  }
0x1a: {  	v5 =	vmin.u32 v5, v6  }
0x1b: {  	vm0 =	vgt.s32 v5, $0x12;
	vm1 =	vgt.s32 v5, $0x14  }
0x1c: {  	vm15 =	vgt.s32 v5, $0x17;
	v6 =	vsel vm0, $0x11, v2;
	v7 =	vsel vm1, $0x1, v3  }
0x1d: {  	vm4 =	vgt.s32 v5, $0x1A;
	v6 =	vadd.s32 v7, v6;
	v7 =	vsel vm15, $0x1, v3  }
0x1e: {  	vm5 =	vgt.s32 v5, $0x1E;
	v6 =	vadd.s32 v7, v6;
	v7 =	vsel vm4, $0x1, v3  }
0x1f: {  	vm6 =	vgt.s32 v5, $0x22;
	v6 =	vadd.s32 v7, v6;
	v7 =	vsel vm5, $0x1, v3  }
0x20: {  	vm7 =	vgt.s32 v5, $0x27;
	v6 =	vadd.s32 v7, v6;
	v7 =	vsel vm6, $0x1, v3  }
0x21: {  	vm8 =	vgt.s32 v5, $0x2D;
	v6 =	vadd.s32 v7, v6;
	v7 =	vsel vm7, $0x1, v3  }
0x22: {  	vm9 =	vgt.s32 v5, $0x33;
	v6 =	vadd.s32 v7, v6;
	v7 =	vsel vm8, $0x1, v3  }
0x23: {  	vm10 =	vgt.s32 v5, $0x3A;
	v6 =	vadd.s32 v7, v6;
	v7 =	vsel vm9, $0x1, v3  }
0x24: {  	vm11 =	vgt.s32 v5, $0x42;
	v6 =	vadd.s32 v7, v6;
	v7 =	vsel vm10, $0x1, v3  }
0x25: {  	vm12 =	vgt.s32 v5, $0x4C;
	v6 =	vadd.s32 v7, v6;
	v7 =	vsel vm11, $0x1, v3  }
0x26: {  	vm13 =	vgt.s32 v5, $0x56;
	v6 =	vadd.s32 v7, v6;
	v7 =	vsel vm12, $0x1, v3  }
0x27: {  	vm14 =	vgt.s32 v5, $0x62;
	v6 =	vadd.s32 v7, v6;
	v7 =	vsel vm13, $0x1, v3  }
0x28: {  	s14 =	sadd.s32 $0x10, s3;
	v8 =	vsel vm14, $0x1, v3;
	vm15 =	vgt.s32 v5, $0x70;
	v7 =	vadd.s32 v7, v6  }
0x29: {  	s12 =	simm.s32 $0x40;
	s15 =	simm.s32 $0x80;
	s13 =	simm.s32 $0x0;
	v6 =	vmov s14;
	v7 =	vadd.s32 v8, v7;
	v8 =	vsel vm15, $0x1, v3  }
.LBB2_2:
0x2a: {  	p0 =	sne.s32 s15, $0x20C0;
	v6 =	vadd.s32 v6, v4;
	v7 =	vadd.s32 v8, v7;
	vm0 =	vlt.s32 v5, $0x10  }
0x2b: {  	v8 =	vsub.s32 $0x0, v6;
	v7 =	vsel vm0, v5, v7  }
0x2c: {  	v5 =	vmin.u32 v6, v8;
	v6 =	vshll.u32 v7, $0x4  }
0x2d: {  	vm0 =	vgt.s32 v5, $0x12;
	vm1 =	vgt.s32 v5, $0x14;
	v6 =	vadd.s32 v0, v6  }
0x2e: {  	v7 =	vsel vm0, $0x11, v2;
	v8 =	vsel vm1, $0x1, v3;
	vm0 =	vgt.s32 v5, $0x17  }
0x2f: {  	v7 =	vadd.s32 v8, v7;
	v8 =	vsel vm0, $0x1, v3;
	vm0 =	vgt.s32 v5, $0x1A  }
0x30: {  	v7 =	vadd.s32 v8, v7;
	v8 =	vsel vm0, $0x1, v3;
	vm0 =	vgt.s32 v5, $0x1E  }
0x31: {  	v7 =	vadd.s32 v8, v7;
	v8 =	vsel vm0, $0x1, v3;
	vm0 =	vgt.s32 v5, $0x22  }
0x32: {  	v7 =	vadd.s32 v8, v7;
	v8 =	vsel vm0, $0x1, v3;
	vm0 =	vgt.s32 v5, $0x27;
	v6 =	vld.idx.msk [tilespmem:v6+s2+$0x0], $0xffff  }
0x33: {  	v7 =	vadd.s32 v8, v7;
	v8 =	vsel vm0, $0x1, v3;
	vm0 =	vgt.s32 v5, $0x2D  }
0x34: {  	v7 =	vadd.s32 v8, v7;
	v8 =	vsel vm0, $0x1, v3;
	vm0 =	vgt.s32 v5, $0x33  }
0x35: {  	v7 =	vadd.s32 v8, v7;
	v8 =	vsel vm0, $0x1, v3;
	vm0 =	vgt.s32 v5, $0x3A  }
0x36: {  	v7 =	vadd.s32 v8, v7;
	v8 =	vsel vm0, $0x1, v3;
	vm0 =	vgt.s32 v5, $0x42  }
.Ltmp0:
0x37: {  	s16 =	sshra.s32 s13, $0x2;
	s13 =	smov.u32 s12;
	v7 =	vadd.s32 v8, v7;
	v8 =	vsel vm0, $0x1, v3;
	vm0 =	vgt.s32 v5, $0x4C;
	(pc) =	sbr.rel @p0 .LBB2_2-.Ltmp0, $4  }
0x38: {  	s12 =	smov.u32 s15;
	v7 =	vadd.s32 v8, v7;
	v8 =	vsel vm0, $0x1, v3;
	vm0 =	vgt.s32 v5, $0x56;
	[tilespmem:s16+$0x280] =	vst v6  }
0x39: {  	v6 =	vadd.s32 v8, v7;
	v7 =	vsel vm0, $0x1, v3;
	vm0 =	vgt.s32 v5, $0x62  }
0x3a: {  	s14 =	sadd.s32 $0x10, s14;
	v7 =	vadd.s32 v7, v6;
	v8 =	vsel vm0, $0x1, v3;
	vm0 =	vgt.s32 v5, $0x70  }
0x3b: {  	s15 =	sadd.s32 $0x40, s15;
	v6 =	vmov s14;
	v7 =	vadd.s32 v8, v7;
	v8 =	vsel vm0, $0x1, v3  }
0x3c: {  	v4 =	vadd.s32 v6, v4;
	v47 =	vadd.s32 v8, v7;
	vm0 =	vlt.s32 v5, $0x10  }
0x3d: {  	v48 =	vsub.s32 $0x0, v4;
	v5 =	vsel vm0, v5, v47  }
0x3e: {  	v4 =	vmin.u32 v4, v48;
	v5 =	vshll.u32 v5, $0x4  }
0x3f: {  	vm13 =	vgt.s32 v4, $0x12;
	vm1 =	vgt.s32 v4, $0x14;
	v5 =	vadd.s32 v0, v5  }
0x40: {  	vm14 =	vgt.s32 v4, $0x17;
	v49 =	vsel vm13, $0x11, v2;
	v50 =	vsel vm1, $0x1, v3  }
0x41: {  	vm15 =	vgt.s32 v4, $0x1A;
	v51 =	vsel vm14, $0x1, v3;
	v6 =	vadd.s32 v50, v49  }
0x42: {  	vm4 =	vgt.s32 v4, $0x1E;
	v52 =	vsel vm15, $0x1, v3;
	v6 =	vadd.s32 v51, v6  }
0x43: {  	vm5 =	vgt.s32 v4, $0x22;
	v53 =	vsel vm4, $0x1, v3;
	v6 =	vadd.s32 v52, v6  }
0x44: {  	vm6 =	vgt.s32 v4, $0x27;
	v54 =	vsel vm5, $0x1, v3;
	v6 =	vadd.s32 v53, v6  }
0x45: {  	vm7 =	vgt.s32 v4, $0x2D;
	v55 =	vsel vm6, $0x1, v3;
	v6 =	vadd.s32 v54, v6  }
0x46: {  	vm8 =	vgt.s32 v4, $0x33;
	v56 =	vsel vm7, $0x1, v3;
	v6 =	vadd.s32 v55, v6  }
0x47: {  	vm9 =	vgt.s32 v4, $0x3A;
	v57 =	vsel vm8, $0x1, v3;
	v6 =	vadd.s32 v56, v6  }
0x48: {  	vm10 =	vgt.s32 v4, $0x42;
	v58 =	vsel vm9, $0x1, v3;
	v6 =	vadd.s32 v57, v6  }
0x49: {  	vm11 =	vgt.s32 v4, $0x4C;
	v59 =	vsel vm10, $0x1, v3;
	v6 =	vadd.s32 v58, v6  }
0x4a: {  	vm12 =	vgt.s32 v4, $0x56;
	v60 =	vsel vm11, $0x1, v3;
	v6 =	vadd.s32 v59, v6  }
0x4b: {  	v61 =	vsel vm12, $0x1, v3;
	vm13 =	vgt.s32 v4, $0x62;
	v6 =	vadd.s32 v60, v6  }
0x4c: {  	vm14 =	vgt.s32 v4, $0x70;
	v62 =	vsel vm13, $0x1, v3;
	v6 =	vadd.s32 v61, v6  }
0x4d: {  	v63 =	vsel vm14, $0x1, v3;
	v6 =	vadd.s32 v62, v6  }
0x4e: {  	vm15 =	vlt.s32 v4, $0x10;
	v6 =	vadd.s32 v63, v6  }
0x4f: {  	v4 =	vsel vm15, v4, v6  }
0x50: {  	v5 =	vld.idx.msk [tilespmem:v5+s2+$0x0], $0xffff;
	v4 =	vshll.u32 v4, $0x4  }
0x51: {  	v4 =	vadd.s32 v0, v4;
	_ =	sdelay $0x2  }
0x52: {  	s13 =	sshra.s32 s13, $0x2  }
0x53: {  	[tilespmem:s13+$0x280] =	vst v5  }
0x54: {  	v4 =	vld.idx.msk [tilespmem:v4+s2+$0x0], $0xffff;
	_ =	sdelay $0x2  }
0x55: {  	s11 =	sadd.s32 $0x1, s11  }
0x56: {  	s12 =	sshra.s32 s12, $0x2;
	p0 =	sne.s32 s11, s8  }
.Ltmp1:
0x57: {  	[tilespmem:s12+$0x280] =	vst v4;
	(pc) =	sbr.rel @p0 .LBB2_1-.Ltmp1, $4  }
0x58: {  	[hbm4b:s7+s2] =	stream.linear.scatter [tilespmem:s10], [sflag:$0x1], $0x840, $0x38;
	[tilespmem:$0xB00] =	vst v63  }
0x59: {  	_ =	swait.ge [sflag:s6], $0x840  }
0x5a: {  	[sflag:s6] =	ssyncset.done $0x0  }
0x5b: {  	[sflag:s6] =	ssyncadd.s32 $0xFFFFF7C0  }
0x5c: {  	_ =	sfence.sel $0x180000  }
0x5d: {  	[bflag:$0x0] =	sbarrier.arrive $0xFFFF  }
0x5e: {  	p0 =	sne.s32 s0, $0x0;
	_ =	strace $0x90000047  }
0x5f: {  	s0 =	sadd.s32 @!p0 $0x100000, s1;
	[bflag:$0x2] =	sbarrier.arrive $0xFFFF  }
0x60: {  	[sflag:s0] =	ssyncadd.tile.s32 @!p0 $0x1;
	_ =	shalt  }
.Lfunc_end2:
_tile_overlayer_lowered:
.L_overlay_start_2:
0x61: {  	(tag) =	ssettag $0x2  }
0x62: {  	s0 =	rddreg [dreg:$0x0];
	s2 =	stileid.u32  }
0x63: {  	s1 =	rddreg [dreg:$0x1];
	p0 =	sne.s32 s2, $0x0  }
0x64: {  	s3 =	rddreg [dreg:$0x2];
	[bflag:$0x3] =	sbarrier.arrive $0xFFFF;
	s2 =	simm.s32 @!p0 $0x1C01  }
0x65: {  	[timem:s3], [sflag:s2] =	dma.local @!p0 [hbm:s0], s1  }
0x66: {  	s0 =	simm.s32 @!p0 $0x1  }
0x67: {  	_ =	swait.ge @!p0 [sflag:s0], s1  }
0x68: {  	s1 =	ssub.s32 @!p0 $0x0, s1;
	[sflag:s0] =	ssyncset.done @!p0 $0x0  }
0x69: {  	[sflag:s0] =	ssyncadd.s32 @!p0 s1  }
0x6a: {  	[bflag:$0x3] =	sbarrier.arrive $0xFFFF  }
0x6b: {  	_ =	shalt  }

</sc_bundles>
